<compile_context>
chip_gen: v7x
topology: tpu7x:2x2x1
jax: 0.10.2.dev20260603
libtpu: 0.0.44.dev20260713+nightly
codegen_flags: <defaults>
</compile_context>

<pallas_src>
import functools

import jax
import jax.numpy as jnp
from jax import lax
from jax.experimental import pallas as pl
from jax.experimental.pallas import tpu as pltpu
from jax.experimental.pallas import tpu_sc as plsc

B = 4096
H = 1024
EMB = H // 2
NOPS = 8
BT = 256
T = B // BT
W = T + NOPS - 1
RS, LS = 32, 128


def _sc_row_gather(table, idx):
    n_rows, d = table.shape
    info = plsc.get_sparse_core_info()
    nw = info.num_cores * info.num_subcores
    b_per_w = idx.shape[0] // nw
    ch = 64
    mesh = plsc.VectorSubcoreMesh(core_axis_name="c", subcore_axis_name="s")

    @functools.partial(
        pl.kernel,
        mesh=mesh,
        out_type=jax.ShapeDtypeStruct((idx.shape[0], d), jnp.float32),
        scratch_types=[
            pltpu.VMEM((ch,), jnp.int32),
            pltpu.VMEM((ch, d), jnp.float32),
            pltpu.SemaphoreType.DMA,
        ],
    )
    def gather_k(table_hbm, idx_hbm, out_hbm, idx_v, rows_v, sem):
        wid = lax.axis_index("s") * info.num_cores + lax.axis_index("c")
        base = wid * b_per_w
        for c in range(b_per_w // ch):
            off = base + c * ch
            pltpu.sync_copy(idx_hbm.at[pl.ds(off, ch)], idx_v)
            pltpu.async_copy(table_hbm.at[idx_v], rows_v, sem).wait()
            pltpu.sync_copy(rows_v, out_hbm.at[pl.ds(off, ch)])

    return gather_k(table, idx)


def _sc_row_scatter(rows, idx):
    n_rows, d = rows.shape
    info = plsc.get_sparse_core_info()
    nw = info.num_cores * info.num_subcores
    b_per_w = n_rows // nw
    ch = 64
    mesh = plsc.VectorSubcoreMesh(core_axis_name="c", subcore_axis_name="s")

    @functools.partial(
        pl.kernel,
        mesh=mesh,
        out_type=jax.ShapeDtypeStruct((n_rows, d), jnp.float32),
        scratch_types=[
            pltpu.VMEM((ch,), jnp.int32),
            pltpu.VMEM((ch, d), jnp.float32),
            pltpu.SemaphoreType.DMA,
        ],
    )
    def scatter_k(rows_hbm, idx_hbm, out_hbm, idx_v, rows_v, sem):
        wid = lax.axis_index("s") * info.num_cores + lax.axis_index("c")
        base = wid * b_per_w
        for c in range(b_per_w // ch):
            off = base + c * ch
            pltpu.sync_copy(idx_hbm.at[pl.ds(off, ch)], idx_v)
            pltpu.sync_copy(rows_hbm.at[pl.ds(off, ch)], rows_v)
            pltpu.async_copy(rows_v, out_hbm.at[idx_v], sem).wait()

    return scatter_k(rows, idx)


def _shift_lanes(x, k):
    return jnp.concatenate([jnp.zeros((x.shape[0], k), x.dtype), x[:, :-k]], axis=1)


def _shift_subl(x, k):
    return jnp.concatenate([jnp.zeros((k, x.shape[1]), x.dtype), x[:-k, :]], axis=0)


def _lane_incl_scan(x):
    for k in (1, 2, 4, 8, 16, 32, 64):
        x = x + _shift_lanes(x, k)
    return x


def _meta_body(ops_ref, pos_ref, meta_ref):
    ops = ops_ref[...]
    lane_iota = lax.broadcasted_iota(jnp.int32, (1, LS), 1)
    within = jnp.zeros((RS, LS), jnp.int32)
    sizes_v = jnp.zeros((1, LS), jnp.int32)
    for o in range(NOPS):
        m = (ops == o).astype(jnp.int32)
        c = _lane_incl_scan(m)
        rt = c[:, LS - 1:LS]
        s = rt
        for k in (1, 2, 4, 8, 16):
            s = s + _shift_subl(s, k)
        within = within + (c - 1 + (s - rt)) * m
        sizes_v = sizes_v + s[RS - 1:RS, 0:1] * (lane_iota == o).astype(jnp.int32)
    starts_v = _lane_incl_scan(sizes_v) - sizes_v
    ends_v = starts_v + sizes_v
    pos = within
    for o in range(NOPS):
        pos = pos + (ops == o).astype(jnp.int32) * starts_v[0:1, o:o + 1]
    pos_ref[...] = pos

    first_tile = starts_v // BT
    last_tile = jnp.maximum(ends_v - 1, 0) // BT
    ntiles = jnp.where(sizes_v > 0, last_tile - first_tile + 1, 0)
    cum_tiles = _lane_incl_scan(ntiles)
    total = cum_tiles[0:1, NOPS - 1:NOPS]
    w_eff = jnp.minimum(lane_iota, total - 1)
    ug = jnp.zeros((1, LS), jnp.int32)
    for o in range(NOPS - 1):
        ug = ug + (cum_tiles[0:1, o:o + 1] <= w_eff).astype(jnp.int32)
    ut = jnp.zeros((1, LS), jnp.int32)
    for o in range(NOPS):
        val = first_tile[0:1, o:o + 1] + w_eff - (cum_tiles[0:1, o:o + 1] - ntiles[0:1, o:o + 1])
        ut = ut + (ug == o).astype(jnp.int32) * val
    zero = jnp.zeros((NOPS - 4, LS), jnp.int32)
    meta_ref[...] = jnp.concatenate([starts_v, ends_v, ug, ut, zero], axis=0)


def _make_metadata(sampled_ops):
    pos2d, meta = pl.pallas_call(
        _meta_body,
        in_specs=[pl.BlockSpec((RS, LS), lambda: (0, 0))],
        out_specs=[pl.BlockSpec((RS, LS), lambda: (0, 0)),
                   pl.BlockSpec((NOPS, LS), lambda: (0, 0))],
        out_shape=[jax.ShapeDtypeStruct((RS, LS), jnp.int32),
                   jax.ShapeDtypeStruct((NOPS, LS), jnp.int32)],
    )(sampled_ops.reshape(RS, LS))
    return pos2d.reshape(B), meta


def _bias_body(emb_ref, W1b_ref, b1_ref, out_ref):
    out_ref[0] = b1_ref[0] + jnp.dot(emb_ref[0], W1b_ref[0],
                                     preferred_element_type=jnp.float32)


def _bias_eff(op_emb, W1, b1):
    emb3 = op_emb.reshape(NOPS, 1, EMB)
    b13 = b1.reshape(NOPS, 1, H)
    return pl.pallas_call(
        _bias_body,
        grid=(NOPS,),
        in_specs=[
            pl.BlockSpec((1, 1, EMB), lambda g: (g, 0, 0)),
            pl.BlockSpec((1, EMB, H), lambda g: (g, 2, 0)),
            pl.BlockSpec((1, 1, H), lambda g: (g, 0, 0)),
        ],
        out_specs=pl.BlockSpec((1, 1, H), lambda g: (g, 0, 0)),
        out_shape=jax.ShapeDtypeStruct((NOPS, 1, H), jnp.float32),
        compiler_params=pltpu.CompilerParams(
            dimension_semantics=("arbitrary",),
        ),
    )(emb3, W1, b13)


def _mlp_body(meta_ref, x_ref, W1_ref, b1_ref, W2_ref, b2_ref, out_ref):
    w = pl.program_id(0)
    g = meta_ref[2, w]
    t = meta_ref[3, w]
    xb = x_ref[...]
    h = jnp.maximum(
        jnp.dot(xb, W1_ref[0], preferred_element_type=jnp.float32) + b1_ref[0], 0.0)
    y = jnp.maximum(
        jnp.dot(h, W2_ref[0], preferred_element_type=jnp.float32) + b2_ref[0], 0.0)
    rows = t * BT + lax.broadcasted_iota(jnp.int32, (BT, 1), 0)
    mask = (rows >= meta_ref[0, g]) & (rows < meta_ref[1, g])
    out_ref[...] = jnp.where(mask, y, out_ref[...])


def _grouped_mlp(x_sorted, op_emb, W1, b1, W2, b2, meta):
    b1_eff = _bias_eff(op_emb, W1, b1)
    b23 = b2.reshape(NOPS, 1, H)
    grid_spec = pltpu.PrefetchScalarGridSpec(
        num_scalar_prefetch=1,
        grid=(W,),
        in_specs=[
            pl.BlockSpec((BT, H), lambda w, M: (M[3, w], 0)),
            pl.BlockSpec((1, H, H), lambda w, M: (M[2, w], 0, 0)),
            pl.BlockSpec((1, 1, H), lambda w, M: (M[2, w], 0, 0)),
            pl.BlockSpec((1, H, H), lambda w, M: (M[2, w], 0, 0)),
            pl.BlockSpec((1, 1, H), lambda w, M: (M[2, w], 0, 0)),
        ],
        out_specs=pl.BlockSpec((BT, H), lambda w, M: (M[3, w], 0)),
    )
    return pl.pallas_call(
        _mlp_body,
        grid_spec=grid_spec,
        out_shape=jax.ShapeDtypeStruct((B, H), jnp.float32),
        compiler_params=pltpu.CompilerParams(
            dimension_semantics=("arbitrary",),
        ),
    )(meta, x_sorted, W1, b1_eff, W2, b23)


def kernel(x, op_emb, W1, b1, W2, b2, sampled_ops):
    sampled_ops = sampled_ops.astype(jnp.int32)
    pos, meta = _make_metadata(sampled_ops)
    x_sorted = _sc_row_scatter(x, pos)
    y_sorted = _grouped_mlp(x_sorted, op_emb, W1, b1, W2, b2, meta)
    return _sc_row_gather(y_sorted, pos)

# --- scband reference (transcript-rebuilt; emitter-appended) ---
"""Pipeline reference for scband-temper-27599459844279 (READ-ONLY COPY).

The authoritative reference and input builder live on the scoring server;
editing this copy changes nothing except your own understanding.
"""

import jax, jax.numpy as jnp
import numpy as np

B = 4096
H = 1024
EMB = H // 2
NOPS = 8

def setup_inputs(seed: int = 0) -> dict:
    key = jax.random.key(seed)
    ks = jax.random.split(key, 6)
    x = jax.random.normal(ks[0], (B, H), dtype=jnp.float32)
    # learned parameters sized per init_kwargs
    op_emb = jax.random.normal(ks[1], (NOPS, EMB), dtype=jnp.float32) * 0.02
    W1 = jax.random.normal(ks[2], (NOPS, H + EMB, H), dtype=jnp.float32) * 0.02
    b1 = jnp.zeros((NOPS, H), dtype=jnp.float32)
    W2 = jax.random.normal(ks[3], (NOPS, H, H), dtype=jnp.float32) * 0.02
    b2 = jnp.zeros((NOPS, H), dtype=jnp.float32)
    # operator_logits are initialized to zeros in the torch module; the torch forward
    # samples ops from Categorical(softmax(logits)). We materialize that sample here
    # (deterministic key) since jax is functional.
    logits = jnp.zeros((NOPS,), dtype=jnp.float32)
    sampled_ops = jax.random.categorical(ks[4], jnp.broadcast_to(logits, (B, NOPS)), axis=-1).astype(jnp.int32)
    return {"x": x, "op_emb": op_emb, "W1": W1, "b1": b1, "W2": W2, "b2": b2, "sampled_ops": sampled_ops}

def reference(x, op_emb, W1, b1, W2, b2, sampled_ops):
    # Temper.apply_operators: per-token sampled operator, operator-embedding concat,
    # then the sampled operator's 2-layer ReLU MLP. out[mask] = op(x_aug[mask]) is
    # reproduced exactly via a one-hot partition sum (masks are disjoint & exhaustive).
    e = jnp.take(op_emb, sampled_ops, axis=0)            # [B, EMB] gather
    x_aug = jnp.concatenate([x, e], axis=-1)             # [B, H+EMB]
    onehot = jax.nn.one_hot(sampled_ops, NOPS, dtype=x.dtype)  # [B, NOPS]
    out = jnp.zeros_like(x)
    for op in range(NOPS):
        h = jax.nn.relu(x_aug @ W1[op] + b1[op])
        y = jax.nn.relu(h @ W2[op] + b2[op])
        out = out + onehot[:, op:op + 1] * y
    return out

if __name__ == "__main__":
    import jax
    _d = setup_inputs()
    print(jax.jit(kernel)(*tuple(_d.values())))

</pallas_src>

<mosaic_0001>
#map = affine_map<(d0, d1) -> (0, 0)>
#map1 = affine_map<(d0, d1) -> (0)>
module attributes {stable_mosaic.version = 14 : i64} {
  func.func @gather_k(%arg0: i32, %arg1: i32, %arg2: memref<4096x1024xf32, #tpu.memory_space<hbm>>, %arg3: memref<4096xi32, #tpu.memory_space<hbm>>, %arg4: memref<4096x1024xf32, #tpu.memory_space<hbm>>, %arg5: memref<64xi32, #tpu.memory_space<vmem>>, %arg6: memref<64x1024xf32, #tpu.memory_space<vmem>>, %arg7: memref<!tpu.dma_semaphore, #tpu.memory_space<semaphore_mem>>) attributes {dimension_semantics = [#tpu.dimension_semantics<core_parallel>, #tpu.dimension_semantics<subcore_parallel>], iteration_bounds = array<i64: 2, 16>, scalar_prefetch = 0 : i64, scratch_operands = 3 : i64, tpu.core_type = #tpu.core_type<sc_vector_subcore>, window_params = [{transform_indices = #map}, {transform_indices = #map1}, {transform_indices = #map}]} {
    %mul3A = arith.constant 2 : i32
    %mul3A_0 = arith.muli %arg1, %mul3A : i32
    %add3A = arith.addi %mul3A_0, %arg0 : i32
    %mul3A_1 = arith.constant 128 : i32
    %mul3A_2 = arith.muli %add3A, %mul3A_1 : i32
    %add3A_3 = arith.constant 0 : i32
    %add3A_4 = arith.addi %mul3A_2, %add3A_3 : i32
    "tpu.region"() ({
      %run_scoped3A = tpu.sem_alloc : memref<!tpu.dma_semaphore, #tpu.memory_space<semaphore_mem>>
      %dma_start3A_17 = tpu.memref_slice %arg3[%add3A_4] : memref<4096xi32, #tpu.memory_space<hbm>> -> memref<64xi32, #tpu.memory_space<hbm>>
      %dma_start3A_18 = tpu.memref_slice %arg3[%add3A_4] : memref<4096xi32, #tpu.memory_space<hbm>> -> memref<64xi32, #tpu.memory_space<hbm>>
      tpu.enqueue_dma source(%dma_start3A_18 : memref<64xi32, #tpu.memory_space<hbm>>) target(%arg5 : memref<64xi32, #tpu.memory_space<vmem>>) target_semaphore(%run_scoped3A : memref<!tpu.dma_semaphore, #tpu.memory_space<semaphore_mem>>)
      %dma_wait3A_19 = tpu.memref_slice %arg3[%add3A_4] : memref<4096xi32, #tpu.memory_space<hbm>> -> memref<64xi32, #tpu.memory_space<hbm>>
      %dma_wait3A_20 = tpu.memref_slice %arg3[%add3A_4] : memref<4096xi32, #tpu.memory_space<hbm>> -> memref<64xi32, #tpu.memory_space<hbm>>
      tpu.wait_dma2 semaphore(%run_scoped3A : memref<!tpu.dma_semaphore, #tpu.memory_space<semaphore_mem>>) src(%dma_wait3A_20 : memref<64xi32, #tpu.memory_space<hbm>>) dst(%arg5 : memref<64xi32, #tpu.memory_space<vmem>>)
      tpu.yield
    }) : () -> ()
    %dma_start3A = arith.constant 0 : i32
    %dma_start3A_5 = arith.constant 0 : i32
    %dma_start3A_6 = tpu.memref_slice %arg2[%dma_start3A, %dma_start3A_5] : memref<4096x1024xf32, #tpu.memory_space<hbm>> -> memref<4096x1024xf32, #tpu.memory_space<hbm>>
    tpu.enqueue_indirect_dma source(%dma_start3A_6 : memref<4096x1024xf32, #tpu.memory_space<hbm>>) target(%arg6 : memref<64x1024xf32, #tpu.memory_space<vmem>>) offsets(%arg5 : memref<64xi32, #tpu.memory_space<vmem>>) semaphore(%arg7 : memref<!tpu.dma_semaphore, #tpu.memory_space<semaphore_mem>>)
    %dma_wait3A = arith.constant 0 : i32
    %dma_wait3A_7 = arith.constant 0 : i32
    %dma_wait3A_8 = tpu.memref_slice %arg2[%dma_wait3A, %dma_wait3A_7] : memref<4096x1024xf32, #tpu.memory_space<hbm>> -> memref<4096x1024xf32, #tpu.memory_space<hbm>>
    tpu.wait_indirect_dma semaphore(%arg7 : memref<!tpu.dma_semaphore, #tpu.memory_space<semaphore_mem>>) src(%dma_wait3A_8 : memref<4096x1024xf32, #tpu.memory_space<hbm>>) dst(%arg6 : memref<64x1024xf32, #tpu.memory_space<vmem>>)
    "tpu.region"() ({
      %run_scoped3A = tpu.sem_alloc : memref<!tpu.dma_semaphore, #tpu.memory_space<semaphore_mem>>
      %dma_start3A_17 = arith.constant 0 : i32
      %dma_start3A_18 = tpu.memref_slice %arg4[%add3A_4, %dma_start3A_17] : memref<4096x1024xf32, #tpu.memory_space<hbm>> -> memref<64x1024xf32, #tpu.memory_space<hbm>>
      %dma_start3A_19 = arith.constant 0 : i32
      %dma_start3A_20 = tpu.memref_slice %arg4[%add3A_4, %dma_start3A_19] : memref<4096x1024xf32, #tpu.memory_space<hbm>> -> memref<64x1024xf32, #tpu.memory_space<hbm>>
      tpu.enqueue_dma source(%arg6 : memref<64x1024xf32, #tpu.memory_space<vmem>>) target(%dma_start3A_20 : memref<64x1024xf32, #tpu.memory_space<hbm>>) target_semaphore(%run_scoped3A : memref<!tpu.dma_semaphore, #tpu.memory_space<semaphore_mem>>)
      %dma_wait3A_21 = arith.constant 0 : i32
      %dma_wait3A_22 = tpu.memref_slice %arg4[%add3A_4, %dma_wait3A_21] : memref<4096x1024xf32, #tpu.memory_space<hbm>> -> memref<64x1024xf32, #tpu.memory_space<hbm>>
      %dma_wait3A_23 = arith.constant 0 : i32
      %dma_wait3A_24 = tpu.memref_slice %arg4[%add3A_4, %dma_wait3A_23] : memref<4096x1024xf32, #tpu.memory_space<hbm>> -> memref<64x1024xf32, #tpu.memory_space<hbm>>
      tpu.wait_dma2 semaphore(%run_scoped3A : memref<!tpu.dma_semaphore, #tpu.memory_space<semaphore_mem>>) src(%arg6 : memref<64x1024xf32, #tpu.memory_space<vmem>>) dst(%dma_wait3A_24 : memref<64x1024xf32, #tpu.memory_space<hbm>>)
      tpu.yield
    }) : () -> ()
    %add3A_9 = arith.constant 64 : i32
    %add3A_10 = arith.addi %mul3A_2, %add3A_9 : i32
    "tpu.region"() ({
      %run_scoped3A = tpu.sem_alloc : memref<!tpu.dma_semaphore, #tpu.memory_space<semaphore_mem>>
      %dma_start3A_17 = tpu.memref_slice %arg3[%add3A_10] : memref<4096xi32, #tpu.memory_space<hbm>> -> memref<64xi32, #tpu.memory_space<hbm>>
      %dma_start3A_18 = tpu.memref_slice %arg3[%add3A_10] : memref<4096xi32, #tpu.memory_space<hbm>> -> memref<64xi32, #tpu.memory_space<hbm>>
      tpu.enqueue_dma source(%dma_start3A_18 : memref<64xi32, #tpu.memory_space<hbm>>) target(%arg5 : memref<64xi32, #tpu.memory_space<vmem>>) target_semaphore(%run_scoped3A : memref<!tpu.dma_semaphore, #tpu.memory_space<semaphore_mem>>)
      %dma_wait3A_19 = tpu.memref_slice %arg3[%add3A_10] : memref<4096xi32, #tpu.memory_space<hbm>> -> memref<64xi32, #tpu.memory_space<hbm>>
      %dma_wait3A_20 = tpu.memref_slice %arg3[%add3A_10] : memref<4096xi32, #tpu.memory_space<hbm>> -> memref<64xi32, #tpu.memory_space<hbm>>
      tpu.wait_dma2 semaphore(%run_scoped3A : memref<!tpu.dma_semaphore, #tpu.memory_space<semaphore_mem>>) src(%dma_wait3A_20 : memref<64xi32, #tpu.memory_space<hbm>>) dst(%arg5 : memref<64xi32, #tpu.memory_space<vmem>>)
      tpu.yield
    }) : () -> ()
    %dma_start3A_11 = arith.constant 0 : i32
    %dma_start3A_12 = arith.constant 0 : i32
    %dma_start3A_13 = tpu.memref_slice %arg2[%dma_start3A_11, %dma_start3A_12] : memref<4096x1024xf32, #tpu.memory_space<hbm>> -> memref<4096x1024xf32, #tpu.memory_space<hbm>>
    tpu.enqueue_indirect_dma source(%dma_start3A_13 : memref<4096x1024xf32, #tpu.memory_space<hbm>>) target(%arg6 : memref<64x1024xf32, #tpu.memory_space<vmem>>) offsets(%arg5 : memref<64xi32, #tpu.memory_space<vmem>>) semaphore(%arg7 : memref<!tpu.dma_semaphore, #tpu.memory_space<semaphore_mem>>)
    %dma_wait3A_14 = arith.constant 0 : i32
    %dma_wait3A_15 = arith.constant 0 : i32
    %dma_wait3A_16 = tpu.memref_slice %arg2[%dma_wait3A_14, %dma_wait3A_15] : memref<4096x1024xf32, #tpu.memory_space<hbm>> -> memref<4096x1024xf32, #tpu.memory_space<hbm>>
    tpu.wait_indirect_dma semaphore(%arg7 : memref<!tpu.dma_semaphore, #tpu.memory_space<semaphore_mem>>) src(%dma_wait3A_16 : memref<4096x1024xf32, #tpu.memory_space<hbm>>) dst(%arg6 : memref<64x1024xf32, #tpu.memory_space<vmem>>)
    "tpu.region"() ({
      %run_scoped3A = tpu.sem_alloc : memref<!tpu.dma_semaphore, #tpu.memory_space<semaphore_mem>>
      %dma_start3A_17 = arith.constant 0 : i32
      %dma_start3A_18 = tpu.memref_slice %arg4[%add3A_10, %dma_start3A_17] : memref<4096x1024xf32, #tpu.memory_space<hbm>> -> memref<64x1024xf32, #tpu.memory_space<hbm>>
      %dma_start3A_19 = arith.constant 0 : i32
      %dma_start3A_20 = tpu.memref_slice %arg4[%add3A_10, %dma_start3A_19] : memref<4096x1024xf32, #tpu.memory_space<hbm>> -> memref<64x1024xf32, #tpu.memory_space<hbm>>
      tpu.enqueue_dma source(%arg6 : memref<64x1024xf32, #tpu.memory_space<vmem>>) target(%dma_start3A_20 : memref<64x1024xf32, #tpu.memory_space<hbm>>) target_semaphore(%run_scoped3A : memref<!tpu.dma_semaphore, #tpu.memory_space<semaphore_mem>>)
      %dma_wait3A_21 = arith.constant 0 : i32
      %dma_wait3A_22 = tpu.memref_slice %arg4[%add3A_10, %dma_wait3A_21] : memref<4096x1024xf32, #tpu.memory_space<hbm>> -> memref<64x1024xf32, #tpu.memory_space<hbm>>
      %dma_wait3A_23 = arith.constant 0 : i32
      %dma_wait3A_24 = tpu.memref_slice %arg4[%add3A_10, %dma_wait3A_23] : memref<4096x1024xf32, #tpu.memory_space<hbm>> -> memref<64x1024xf32, #tpu.memory_space<hbm>>
      tpu.wait_dma2 semaphore(%run_scoped3A : memref<!tpu.dma_semaphore, #tpu.memory_space<semaphore_mem>>) src(%arg6 : memref<64x1024xf32, #tpu.memory_space<vmem>>) dst(%dma_wait3A_24 : memref<64x1024xf32, #tpu.memory_space<hbm>>)
      tpu.yield
    }) : () -> ()
    return
  }
}

#map = affine_map<(d0, d1) -> (0, 0)>
#map1 = affine_map<(d0, d1) -> (0)>
module attributes {stable_mosaic.version = 14 : i64} {
  func.func @scatter_k(%arg0: i32, %arg1: i32, %arg2: memref<4096x1024xf32, #tpu.memory_space<hbm>>, %arg3: memref<4096xi32, #tpu.memory_space<hbm>>, %arg4: memref<4096x1024xf32, #tpu.memory_space<hbm>>, %arg5: memref<64xi32, #tpu.memory_space<vmem>>, %arg6: memref<64x1024xf32, #tpu.memory_space<vmem>>, %arg7: memref<!tpu.dma_semaphore, #tpu.memory_space<semaphore_mem>>) attributes {dimension_semantics = [#tpu.dimension_semantics<core_parallel>, #tpu.dimension_semantics<subcore_parallel>], iteration_bounds = array<i64: 2, 16>, scalar_prefetch = 0 : i64, scratch_operands = 3 : i64, tpu.core_type = #tpu.core_type<sc_vector_subcore>, window_params = [{transform_indices = #map}, {transform_indices = #map1}, {transform_indices = #map}]} {
    %mul3A = arith.constant 2 : i32
    %mul3A_0 = arith.muli %arg1, %mul3A : i32
    %add3A = arith.addi %mul3A_0, %arg0 : i32
    %mul3A_1 = arith.constant 128 : i32
    %mul3A_2 = arith.muli %add3A, %mul3A_1 : i32
    %add3A_3 = arith.constant 0 : i32
    %add3A_4 = arith.addi %mul3A_2, %add3A_3 : i32
    "tpu.region"() ({
      %run_scoped3A = tpu.sem_alloc : memref<!tpu.dma_semaphore, #tpu.memory_space<semaphore_mem>>
      %dma_start3A_17 = tpu.memref_slice %arg3[%add3A_4] : memref<4096xi32, #tpu.memory_space<hbm>> -> memref<64xi32, #tpu.memory_space<hbm>>
      %dma_start3A_18 = tpu.memref_slice %arg3[%add3A_4] : memref<4096xi32, #tpu.memory_space<hbm>> -> memref<64xi32, #tpu.memory_space<hbm>>
      tpu.enqueue_dma source(%dma_start3A_18 : memref<64xi32, #tpu.memory_space<hbm>>) target(%arg5 : memref<64xi32, #tpu.memory_space<vmem>>) target_semaphore(%run_scoped3A : memref<!tpu.dma_semaphore, #tpu.memory_space<semaphore_mem>>)
      %dma_wait3A_19 = tpu.memref_slice %arg3[%add3A_4] : memref<4096xi32, #tpu.memory_space<hbm>> -> memref<64xi32, #tpu.memory_space<hbm>>
      %dma_wait3A_20 = tpu.memref_slice %arg3[%add3A_4] : memref<4096xi32, #tpu.memory_space<hbm>> -> memref<64xi32, #tpu.memory_space<hbm>>
      tpu.wait_dma2 semaphore(%run_scoped3A : memref<!tpu.dma_semaphore, #tpu.memory_space<semaphore_mem>>) src(%dma_wait3A_20 : memref<64xi32, #tpu.memory_space<hbm>>) dst(%arg5 : memref<64xi32, #tpu.memory_space<vmem>>)
      tpu.yield
    }) : () -> ()
    "tpu.region"() ({
      %run_scoped3A = tpu.sem_alloc : memref<!tpu.dma_semaphore, #tpu.memory_space<semaphore_mem>>
      %dma_start3A_17 = arith.constant 0 : i32
      %dma_start3A_18 = tpu.memref_slice %arg2[%add3A_4, %dma_start3A_17] : memref<4096x1024xf32, #tpu.memory_space<hbm>> -> memref<64x1024xf32, #tpu.memory_space<hbm>>
      %dma_start3A_19 = arith.constant 0 : i32
      %dma_start3A_20 = tpu.memref_slice %arg2[%add3A_4, %dma_start3A_19] : memref<4096x1024xf32, #tpu.memory_space<hbm>> -> memref<64x1024xf32, #tpu.memory_space<hbm>>
      tpu.enqueue_dma source(%dma_start3A_20 : memref<64x1024xf32, #tpu.memory_space<hbm>>) target(%arg6 : memref<64x1024xf32, #tpu.memory_space<vmem>>) target_semaphore(%run_scoped3A : memref<!tpu.dma_semaphore, #tpu.memory_space<semaphore_mem>>)
      %dma_wait3A_21 = arith.constant 0 : i32
      %dma_wait3A_22 = tpu.memref_slice %arg2[%add3A_4, %dma_wait3A_21] : memref<4096x1024xf32, #tpu.memory_space<hbm>> -> memref<64x1024xf32, #tpu.memory_space<hbm>>
      %dma_wait3A_23 = arith.constant 0 : i32
      %dma_wait3A_24 = tpu.memref_slice %arg2[%add3A_4, %dma_wait3A_23] : memref<4096x1024xf32, #tpu.memory_space<hbm>> -> memref<64x1024xf32, #tpu.memory_space<hbm>>
      tpu.wait_dma2 semaphore(%run_scoped3A : memref<!tpu.dma_semaphore, #tpu.memory_space<semaphore_mem>>) src(%dma_wait3A_24 : memref<64x1024xf32, #tpu.memory_space<hbm>>) dst(%arg6 : memref<64x1024xf32, #tpu.memory_space<vmem>>)
      tpu.yield
    }) : () -> ()
    %dma_start3A = arith.constant 0 : i32
    %dma_start3A_5 = arith.constant 0 : i32
    %dma_start3A_6 = tpu.memref_slice %arg4[%dma_start3A, %dma_start3A_5] : memref<4096x1024xf32, #tpu.memory_space<hbm>> -> memref<4096x1024xf32, #tpu.memory_space<hbm>>
    tpu.enqueue_indirect_dma source(%arg6 : memref<64x1024xf32, #tpu.memory_space<vmem>>) target(%dma_start3A_6 : memref<4096x1024xf32, #tpu.memory_space<hbm>>) offsets(%arg5 : memref<64xi32, #tpu.memory_space<vmem>>) semaphore(%arg7 : memref<!tpu.dma_semaphore, #tpu.memory_space<semaphore_mem>>)
    %dma_wait3A = arith.constant 0 : i32
    %dma_wait3A_7 = arith.constant 0 : i32
    %dma_wait3A_8 = tpu.memref_slice %arg4[%dma_wait3A, %dma_wait3A_7] : memref<4096x1024xf32, #tpu.memory_space<hbm>> -> memref<4096x1024xf32, #tpu.memory_space<hbm>>
    tpu.wait_indirect_dma semaphore(%arg7 : memref<!tpu.dma_semaphore, #tpu.memory_space<semaphore_mem>>) src(%arg6 : memref<64x1024xf32, #tpu.memory_space<vmem>>) dst(%dma_wait3A_8 : memref<4096x1024xf32, #tpu.memory_space<hbm>>)
    %add3A_9 = arith.constant 64 : i32
    %add3A_10 = arith.addi %mul3A_2, %add3A_9 : i32
    "tpu.region"() ({
      %run_scoped3A = tpu.sem_alloc : memref<!tpu.dma_semaphore, #tpu.memory_space<semaphore_mem>>
      %dma_start3A_17 = tpu.memref_slice %arg3[%add3A_10] : memref<4096xi32, #tpu.memory_space<hbm>> -> memref<64xi32, #tpu.memory_space<hbm>>
      %dma_start3A_18 = tpu.memref_slice %arg3[%add3A_10] : memref<4096xi32, #tpu.memory_space<hbm>> -> memref<64xi32, #tpu.memory_space<hbm>>
      tpu.enqueue_dma source(%dma_start3A_18 : memref<64xi32, #tpu.memory_space<hbm>>) target(%arg5 : memref<64xi32, #tpu.memory_space<vmem>>) target_semaphore(%run_scoped3A : memref<!tpu.dma_semaphore, #tpu.memory_space<semaphore_mem>>)
      %dma_wait3A_19 = tpu.memref_slice %arg3[%add3A_10] : memref<4096xi32, #tpu.memory_space<hbm>> -> memref<64xi32, #tpu.memory_space<hbm>>
      %dma_wait3A_20 = tpu.memref_slice %arg3[%add3A_10] : memref<4096xi32, #tpu.memory_space<hbm>> -> memref<64xi32, #tpu.memory_space<hbm>>
      tpu.wait_dma2 semaphore(%run_scoped3A : memref<!tpu.dma_semaphore, #tpu.memory_space<semaphore_mem>>) src(%dma_wait3A_20 : memref<64xi32, #tpu.memory_space<hbm>>) dst(%arg5 : memref<64xi32, #tpu.memory_space<vmem>>)
      tpu.yield
    }) : () -> ()
    "tpu.region"() ({
      %run_scoped3A = tpu.sem_alloc : memref<!tpu.dma_semaphore, #tpu.memory_space<semaphore_mem>>
      %dma_start3A_17 = arith.constant 0 : i32
      %dma_start3A_18 = tpu.memref_slice %arg2[%add3A_10, %dma_start3A_17] : memref<4096x1024xf32, #tpu.memory_space<hbm>> -> memref<64x1024xf32, #tpu.memory_space<hbm>>
      %dma_start3A_19 = arith.constant 0 : i32
      %dma_start3A_20 = tpu.memref_slice %arg2[%add3A_10, %dma_start3A_19] : memref<4096x1024xf32, #tpu.memory_space<hbm>> -> memref<64x1024xf32, #tpu.memory_space<hbm>>
      tpu.enqueue_dma source(%dma_start3A_20 : memref<64x1024xf32, #tpu.memory_space<hbm>>) target(%arg6 : memref<64x1024xf32, #tpu.memory_space<vmem>>) target_semaphore(%run_scoped3A : memref<!tpu.dma_semaphore, #tpu.memory_space<semaphore_mem>>)
      %dma_wait3A_21 = arith.constant 0 : i32
      %dma_wait3A_22 = tpu.memref_slice %arg2[%add3A_10, %dma_wait3A_21] : memref<4096x1024xf32, #tpu.memory_space<hbm>> -> memref<64x1024xf32, #tpu.memory_space<hbm>>
      %dma_wait3A_23 = arith.constant 0 : i32
      %dma_wait3A_24 = tpu.memref_slice %arg2[%add3A_10, %dma_wait3A_23] : memref<4096x1024xf32, #tpu.memory_space<hbm>> -> memref<64x1024xf32, #tpu.memory_space<hbm>>
      tpu.wait_dma2 semaphore(%run_scoped3A : memref<!tpu.dma_semaphore, #tpu.memory_space<semaphore_mem>>) src(%dma_wait3A_24 : memref<64x1024xf32, #tpu.memory_space<hbm>>) dst(%arg6 : memref<64x1024xf32, #tpu.memory_space<vmem>>)
      tpu.yield
    }) : () -> ()
    %dma_start3A_11 = arith.constant 0 : i32
    %dma_start3A_12 = arith.constant 0 : i32
    %dma_start3A_13 = tpu.memref_slice %arg4[%dma_start3A_11, %dma_start3A_12] : memref<4096x1024xf32, #tpu.memory_space<hbm>> -> memref<4096x1024xf32, #tpu.memory_space<hbm>>
    tpu.enqueue_indirect_dma source(%arg6 : memref<64x1024xf32, #tpu.memory_space<vmem>>) target(%dma_start3A_13 : memref<4096x1024xf32, #tpu.memory_space<hbm>>) offsets(%arg5 : memref<64xi32, #tpu.memory_space<vmem>>) semaphore(%arg7 : memref<!tpu.dma_semaphore, #tpu.memory_space<semaphore_mem>>)
    %dma_wait3A_14 = arith.constant 0 : i32
    %dma_wait3A_15 = arith.constant 0 : i32
    %dma_wait3A_16 = tpu.memref_slice %arg4[%dma_wait3A_14, %dma_wait3A_15] : memref<4096x1024xf32, #tpu.memory_space<hbm>> -> memref<4096x1024xf32, #tpu.memory_space<hbm>>
    tpu.wait_indirect_dma semaphore(%arg7 : memref<!tpu.dma_semaphore, #tpu.memory_space<semaphore_mem>>) src(%arg6 : memref<64x1024xf32, #tpu.memory_space<vmem>>) dst(%dma_wait3A_16 : memref<4096x1024xf32, #tpu.memory_space<hbm>>)
    return
  }
}

module attributes {stable_mosaic.version = 14 : i64} {
  func.func @_meta_body(%arg0: memref<32x128xi32, #tpu.memory_space<vmem>>, %arg1: memref<32x128xi32, #tpu.memory_space<vmem>>, %arg2: memref<8x128xi32, #tpu.memory_space<vmem>>) attributes {dimension_semantics = [], scalar_prefetch = 0 : i64, scratch_operands = 0 : i64, tpu.core_type = #tpu.core_type<tc>} {
    %get3A = arith.constant 0 : index
    %get3A_0 = arith.constant 0 : index
    %get3A_1 = vector.load %arg0[%get3A, %get3A_0] : memref<32x128xi32, #tpu.memory_space<vmem>>, vector<32x128xi32>
    %iota3A = tpu.iota {dimensions = array<i32: 1>} : vector<1x128xi32>
    %broadcast_in_dim3A = arith.constant 0 : i32
    %broadcast_in_dim3A_2 = vector.broadcast %broadcast_in_dim3A : i32 to vector<32x128xi32>
    %broadcast_in_dim3A_3 = arith.constant 0 : i32
    %broadcast_in_dim3A_4 = vector.broadcast %broadcast_in_dim3A_3 : i32 to vector<1x128xi32>
    %eq3A = arith.constant 0 : i32
    %eq3A_5 = vector.broadcast %eq3A : i32 to vector<32x128xi32>
    %eq3A_6 = arith.cmpi eq, %get3A_1, %eq3A_5 : vector<32x128xi32>
    %convert_element_type3A = arith.extui %eq3A_6 : vector<32x128xi1> to vector<32x128xi32>
    %broadcast_in_dim3A_7 = arith.constant 0 : i32
    %broadcast_in_dim3A_8 = vector.broadcast %broadcast_in_dim3A_7 : i32 to vector<32x1xi32>
    %slice3A = vector.extract_strided_slice %convert_element_type3A {offsets = [0, 0], sizes = [32, 127], strides = [1, 1]} : vector<32x128xi32> to vector<32x127xi32>
    %concatenate3A = tpu.concatenate %broadcast_in_dim3A_8, %slice3A in 1 : vector<32x1xi32>, vector<32x127xi32> -> vector<32x128xi32>
    %add3A = arith.addi %convert_element_type3A, %concatenate3A : vector<32x128xi32>
    %broadcast_in_dim3A_9 = arith.constant 0 : i32
    %broadcast_in_dim3A_10 = vector.broadcast %broadcast_in_dim3A_9 : i32 to vector<32x2xi32>
    %slice3A_11 = vector.extract_strided_slice %add3A {offsets = [0, 0], sizes = [32, 126], strides = [1, 1]} : vector<32x128xi32> to vector<32x126xi32>
    %concatenate3A_12 = tpu.concatenate %broadcast_in_dim3A_10, %slice3A_11 in 1 : vector<32x2xi32>, vector<32x126xi32> -> vector<32x128xi32>
    %add3A_13 = arith.addi %add3A, %concatenate3A_12 : vector<32x128xi32>
    %broadcast_in_dim3A_14 = arith.constant 0 : i32
    %broadcast_in_dim3A_15 = vector.broadcast %broadcast_in_dim3A_14 : i32 to vector<32x4xi32>
    %slice3A_16 = vector.extract_strided_slice %add3A_13 {offsets = [0, 0], sizes = [32, 124], strides = [1, 1]} : vector<32x128xi32> to vector<32x124xi32>
    %concatenate3A_17 = tpu.concatenate %broadcast_in_dim3A_15, %slice3A_16 in 1 : vector<32x4xi32>, vector<32x124xi32> -> vector<32x128xi32>
    %add3A_18 = arith.addi %add3A_13, %concatenate3A_17 : vector<32x128xi32>
    %broadcast_in_dim3A_19 = arith.constant 0 : i32
    %broadcast_in_dim3A_20 = vector.broadcast %broadcast_in_dim3A_19 : i32 to vector<32x8xi32>
    %slice3A_21 = vector.extract_strided_slice %add3A_18 {offsets = [0, 0], sizes = [32, 120], strides = [1, 1]} : vector<32x128xi32> to vector<32x120xi32>
    %concatenate3A_22 = tpu.concatenate %broadcast_in_dim3A_20, %slice3A_21 in 1 : vector<32x8xi32>, vector<32x120xi32> -> vector<32x128xi32>
    %add3A_23 = arith.addi %add3A_18, %concatenate3A_22 : vector<32x128xi32>
    %broadcast_in_dim3A_24 = arith.constant 0 : i32
    %broadcast_in_dim3A_25 = vector.broadcast %broadcast_in_dim3A_24 : i32 to vector<32x16xi32>
    %slice3A_26 = vector.extract_strided_slice %add3A_23 {offsets = [0, 0], sizes = [32, 112], strides = [1, 1]} : vector<32x128xi32> to vector<32x112xi32>
    %concatenate3A_27 = tpu.concatenate %broadcast_in_dim3A_25, %slice3A_26 in 1 : vector<32x16xi32>, vector<32x112xi32> -> vector<32x128xi32>
    %add3A_28 = arith.addi %add3A_23, %concatenate3A_27 : vector<32x128xi32>
    %broadcast_in_dim3A_29 = arith.constant 0 : i32
    %broadcast_in_dim3A_30 = vector.broadcast %broadcast_in_dim3A_29 : i32 to vector<32x32xi32>
    %slice3A_31 = vector.extract_strided_slice %add3A_28 {offsets = [0, 0], sizes = [32, 96], strides = [1, 1]} : vector<32x128xi32> to vector<32x96xi32>
    %concatenate3A_32 = tpu.concatenate %broadcast_in_dim3A_30, %slice3A_31 in 1 : vector<32x32xi32>, vector<32x96xi32> -> vector<32x128xi32>
    %add3A_33 = arith.addi %add3A_28, %concatenate3A_32 : vector<32x128xi32>
    %broadcast_in_dim3A_34 = arith.constant 0 : i32
    %broadcast_in_dim3A_35 = vector.broadcast %broadcast_in_dim3A_34 : i32 to vector<32x64xi32>
    %slice3A_36 = vector.extract_strided_slice %add3A_33 {offsets = [0, 0], sizes = [32, 64], strides = [1, 1]} : vector<32x128xi32> to vector<32x64xi32>
    %concatenate3A_37 = tpu.concatenate %broadcast_in_dim3A_35, %slice3A_36 in 1 : vector<32x64xi32>, vector<32x64xi32> -> vector<32x128xi32>
    %add3A_38 = arith.addi %add3A_33, %concatenate3A_37 : vector<32x128xi32>
    %slice3A_39 = vector.extract_strided_slice %add3A_38 {offsets = [0, 127], sizes = [32, 1], strides = [1, 1]} : vector<32x128xi32> to vector<32x1xi32>
    %broadcast_in_dim3A_40 = arith.constant 0 : i32
    %broadcast_in_dim3A_41 = vector.broadcast %broadcast_in_dim3A_40 : i32 to vector<1x1xi32>
    %slice3A_42 = vector.extract_strided_slice %slice3A_39 {offsets = [0, 0], sizes = [31, 1], strides = [1, 1]} : vector<32x1xi32> to vector<31x1xi32>
    %concatenate3A_43 = tpu.concatenate %broadcast_in_dim3A_41, %slice3A_42 in 0 : vector<1x1xi32>, vector<31x1xi32> -> vector<32x1xi32>
    %add3A_44 = arith.addi %slice3A_39, %concatenate3A_43 : vector<32x1xi32>
    %broadcast_in_dim3A_45 = arith.constant 0 : i32
    %broadcast_in_dim3A_46 = vector.broadcast %broadcast_in_dim3A_45 : i32 to vector<2x1xi32>
    %slice3A_47 = vector.extract_strided_slice %add3A_44 {offsets = [0, 0], sizes = [30, 1], strides = [1, 1]} : vector<32x1xi32> to vector<30x1xi32>
    %concatenate3A_48 = tpu.concatenate %broadcast_in_dim3A_46, %slice3A_47 in 0 : vector<2x1xi32>, vector<30x1xi32> -> vector<32x1xi32>
    %add3A_49 = arith.addi %add3A_44, %concatenate3A_48 : vector<32x1xi32>
    %broadcast_in_dim3A_50 = arith.constant 0 : i32
    %broadcast_in_dim3A_51 = vector.broadcast %broadcast_in_dim3A_50 : i32 to vector<4x1xi32>
    %slice3A_52 = vector.extract_strided_slice %add3A_49 {offsets = [0, 0], sizes = [28, 1], strides = [1, 1]} : vector<32x1xi32> to vector<28x1xi32>
    %concatenate3A_53 = tpu.concatenate %broadcast_in_dim3A_51, %slice3A_52 in 0 : vector<4x1xi32>, vector<28x1xi32> -> vector<32x1xi32>
    %add3A_54 = arith.addi %add3A_49, %concatenate3A_53 : vector<32x1xi32>
    %broadcast_in_dim3A_55 = arith.constant 0 : i32
    %broadcast_in_dim3A_56 = vector.broadcast %broadcast_in_dim3A_55 : i32 to vector<8x1xi32>
    %slice3A_57 = vector.extract_strided_slice %add3A_54 {offsets = [0, 0], sizes = [24, 1], strides = [1, 1]} : vector<32x1xi32> to vector<24x1xi32>
    %concatenate3A_58 = tpu.concatenate %broadcast_in_dim3A_56, %slice3A_57 in 0 : vector<8x1xi32>, vector<24x1xi32> -> vector<32x1xi32>
    %add3A_59 = arith.addi %add3A_54, %concatenate3A_58 : vector<32x1xi32>
    %broadcast_in_dim3A_60 = arith.constant 0 : i32
    %broadcast_in_dim3A_61 = vector.broadcast %broadcast_in_dim3A_60 : i32 to vector<16x1xi32>
    %slice3A_62 = vector.extract_strided_slice %add3A_59 {offsets = [0, 0], sizes = [16, 1], strides = [1, 1]} : vector<32x1xi32> to vector<16x1xi32>
    %concatenate3A_63 = tpu.concatenate %broadcast_in_dim3A_61, %slice3A_62 in 0 : vector<16x1xi32>, vector<16x1xi32> -> vector<32x1xi32>
    %add3A_64 = arith.addi %add3A_59, %concatenate3A_63 : vector<32x1xi32>
    %sub3A = arith.constant 1 : i32
    %sub3A_65 = vector.broadcast %sub3A : i32 to vector<32x128xi32>
    %sub3A_66 = arith.subi %add3A_38, %sub3A_65 : vector<32x128xi32>
    %sub3A_67 = arith.subi %add3A_64, %slice3A_39 : vector<32x1xi32>
    %add3A_68 = vector.broadcast %sub3A_67 : vector<32x1xi32> to vector<32x128xi32>
    %add3A_69 = arith.addi %sub3A_66, %add3A_68 : vector<32x128xi32>
    %mul3A = arith.muli %add3A_69, %convert_element_type3A : vector<32x128xi32>
    %add3A_70 = arith.addi %broadcast_in_dim3A_2, %mul3A : vector<32x128xi32>
    %slice3A_71 = vector.extract_strided_slice %add3A_64 {offsets = [31, 0], sizes = [1, 1], strides = [1, 1]} : vector<32x1xi32> to vector<1x1xi32>
    %eq3A_72 = arith.constant 0 : i32
    %eq3A_73 = vector.broadcast %eq3A_72 : i32 to vector<1x128xi32>
    %eq3A_74 = arith.cmpi eq, %iota3A, %eq3A_73 : vector<1x128xi32>
    %convert_element_type3A_75 = arith.extui %eq3A_74 : vector<1x128xi1> to vector<1x128xi32>
    %mul3A_76 = vector.broadcast %slice3A_71 : vector<1x1xi32> to vector<1x128xi32>
    %mul3A_77 = arith.muli %mul3A_76, %convert_element_type3A_75 : vector<1x128xi32>
    %add3A_78 = arith.addi %broadcast_in_dim3A_4, %mul3A_77 : vector<1x128xi32>
    %eq3A_79 = arith.constant 1 : i32
    %eq3A_80 = vector.broadcast %eq3A_79 : i32 to vector<32x128xi32>
    %eq3A_81 = arith.cmpi eq, %get3A_1, %eq3A_80 : vector<32x128xi32>
    %convert_element_type3A_82 = arith.extui %eq3A_81 : vector<32x128xi1> to vector<32x128xi32>
    %broadcast_in_dim3A_83 = arith.constant 0 : i32
    %broadcast_in_dim3A_84 = vector.broadcast %broadcast_in_dim3A_83 : i32 to vector<32x1xi32>
    %slice3A_85 = vector.extract_strided_slice %convert_element_type3A_82 {offsets = [0, 0], sizes = [32, 127], strides = [1, 1]} : vector<32x128xi32> to vector<32x127xi32>
    %concatenate3A_86 = tpu.concatenate %broadcast_in_dim3A_84, %slice3A_85 in 1 : vector<32x1xi32>, vector<32x127xi32> -> vector<32x128xi32>
    %add3A_87 = arith.addi %convert_element_type3A_82, %concatenate3A_86 : vector<32x128xi32>
    %broadcast_in_dim3A_88 = arith.constant 0 : i32
    %broadcast_in_dim3A_89 = vector.broadcast %broadcast_in_dim3A_88 : i32 to vector<32x2xi32>
    %slice3A_90 = vector.extract_strided_slice %add3A_87 {offsets = [0, 0], sizes = [32, 126], strides = [1, 1]} : vector<32x128xi32> to vector<32x126xi32>
    %concatenate3A_91 = tpu.concatenate %broadcast_in_dim3A_89, %slice3A_90 in 1 : vector<32x2xi32>, vector<32x126xi32> -> vector<32x128xi32>
    %add3A_92 = arith.addi %add3A_87, %concatenate3A_91 : vector<32x128xi32>
    %broadcast_in_dim3A_93 = arith.constant 0 : i32
    %broadcast_in_dim3A_94 = vector.broadcast %broadcast_in_dim3A_93 : i32 to vector<32x4xi32>
    %slice3A_95 = vector.extract_strided_slice %add3A_92 {offsets = [0, 0], sizes = [32, 124], strides = [1, 1]} : vector<32x128xi32> to vector<32x124xi32>
    %concatenate3A_96 = tpu.concatenate %broadcast_in_dim3A_94, %slice3A_95 in 1 : vector<32x4xi32>, vector<32x124xi32> -> vector<32x128xi32>
    %add3A_97 = arith.addi %add3A_92, %concatenate3A_96 : vector<32x128xi32>
    %broadcast_in_dim3A_98 = arith.constant 0 : i32
    %broadcast_in_dim3A_99 = vector.broadcast %broadcast_in_dim3A_98 : i32 to vector<32x8xi32>
    %slice3A_100 = vector.extract_strided_slice %add3A_97 {offsets = [0, 0], sizes = [32, 120], strides = [1, 1]} : vector<32x128xi32> to vector<32x120xi32>
    %concatenate3A_101 = tpu.concatenate %broadcast_in_dim3A_99, %slice3A_100 in 1 : vector<32x8xi32>, vector<32x120xi32> -> vector<32x128xi32>
    %add3A_102 = arith.addi %add3A_97, %concatenate3A_101 : vector<32x128xi32>
    %broadcast_in_dim3A_103 = arith.constant 0 : i32
    %broadcast_in_dim3A_104 = vector.broadcast %broadcast_in_dim3A_103 : i32 to vector<32x16xi32>
    %slice3A_105 = vector.extract_strided_slice %add3A_102 {offsets = [0, 0], sizes = [32, 112], strides = [1, 1]} : vector<32x128xi32> to vector<32x112xi32>
    %concatenate3A_106 = tpu.concatenate %broadcast_in_dim3A_104, %slice3A_105 in 1 : vector<32x16xi32>, vector<32x112xi32> -> vector<32x128xi32>
    %add3A_107 = arith.addi %add3A_102, %concatenate3A_106 : vector<32x128xi32>
    %broadcast_in_dim3A_108 = arith.constant 0 : i32
    %broadcast_in_dim3A_109 = vector.broadcast %broadcast_in_dim3A_108 : i32 to vector<32x32xi32>
    %slice3A_110 = vector.extract_strided_slice %add3A_107 {offsets = [0, 0], sizes = [32, 96], strides = [1, 1]} : vector<32x128xi32> to vector<32x96xi32>
    %concatenate3A_111 = tpu.concatenate %broadcast_in_dim3A_109, %slice3A_110 in 1 : vector<32x32xi32>, vector<32x96xi32> -> vector<32x128xi32>
    %add3A_112 = arith.addi %add3A_107, %concatenate3A_111 : vector<32x128xi32>
    %broadcast_in_dim3A_113 = arith.constant 0 : i32
    %broadcast_in_dim3A_114 = vector.broadcast %broadcast_in_dim3A_113 : i32 to vector<32x64xi32>
    %slice3A_115 = vector.extract_strided_slice %add3A_112 {offsets = [0, 0], sizes = [32, 64], strides = [1, 1]} : vector<32x128xi32> to vector<32x64xi32>
    %concatenate3A_116 = tpu.concatenate %broadcast_in_dim3A_114, %slice3A_115 in 1 : vector<32x64xi32>, vector<32x64xi32> -> vector<32x128xi32>
    %add3A_117 = arith.addi %add3A_112, %concatenate3A_116 : vector<32x128xi32>
    %slice3A_118 = vector.extract_strided_slice %add3A_117 {offsets = [0, 127], sizes = [32, 1], strides = [1, 1]} : vector<32x128xi32> to vector<32x1xi32>
    %broadcast_in_dim3A_119 = arith.constant 0 : i32
    %broadcast_in_dim3A_120 = vector.broadcast %broadcast_in_dim3A_119 : i32 to vector<1x1xi32>
    %slice3A_121 = vector.extract_strided_slice %slice3A_118 {offsets = [0, 0], sizes = [31, 1], strides = [1, 1]} : vector<32x1xi32> to vector<31x1xi32>
    %concatenate3A_122 = tpu.concatenate %broadcast_in_dim3A_120, %slice3A_121 in 0 : vector<1x1xi32>, vector<31x1xi32> -> vector<32x1xi32>
    %add3A_123 = arith.addi %slice3A_118, %concatenate3A_122 : vector<32x1xi32>
    %broadcast_in_dim3A_124 = arith.constant 0 : i32
    %broadcast_in_dim3A_125 = vector.broadcast %broadcast_in_dim3A_124 : i32 to vector<2x1xi32>
    %slice3A_126 = vector.extract_strided_slice %add3A_123 {offsets = [0, 0], sizes = [30, 1], strides = [1, 1]} : vector<32x1xi32> to vector<30x1xi32>
    %concatenate3A_127 = tpu.concatenate %broadcast_in_dim3A_125, %slice3A_126 in 0 : vector<2x1xi32>, vector<30x1xi32> -> vector<32x1xi32>
    %add3A_128 = arith.addi %add3A_123, %concatenate3A_127 : vector<32x1xi32>
    %broadcast_in_dim3A_129 = arith.constant 0 : i32
    %broadcast_in_dim3A_130 = vector.broadcast %broadcast_in_dim3A_129 : i32 to vector<4x1xi32>
    %slice3A_131 = vector.extract_strided_slice %add3A_128 {offsets = [0, 0], sizes = [28, 1], strides = [1, 1]} : vector<32x1xi32> to vector<28x1xi32>
    %concatenate3A_132 = tpu.concatenate %broadcast_in_dim3A_130, %slice3A_131 in 0 : vector<4x1xi32>, vector<28x1xi32> -> vector<32x1xi32>
    %add3A_133 = arith.addi %add3A_128, %concatenate3A_132 : vector<32x1xi32>
    %broadcast_in_dim3A_134 = arith.constant 0 : i32
    %broadcast_in_dim3A_135 = vector.broadcast %broadcast_in_dim3A_134 : i32 to vector<8x1xi32>
    %slice3A_136 = vector.extract_strided_slice %add3A_133 {offsets = [0, 0], sizes = [24, 1], strides = [1, 1]} : vector<32x1xi32> to vector<24x1xi32>
    %concatenate3A_137 = tpu.concatenate %broadcast_in_dim3A_135, %slice3A_136 in 0 : vector<8x1xi32>, vector<24x1xi32> -> vector<32x1xi32>
    %add3A_138 = arith.addi %add3A_133, %concatenate3A_137 : vector<32x1xi32>
    %broadcast_in_dim3A_139 = arith.constant 0 : i32
    %broadcast_in_dim3A_140 = vector.broadcast %broadcast_in_dim3A_139 : i32 to vector<16x1xi32>
    %slice3A_141 = vector.extract_strided_slice %add3A_138 {offsets = [0, 0], sizes = [16, 1], strides = [1, 1]} : vector<32x1xi32> to vector<16x1xi32>
    %concatenate3A_142 = tpu.concatenate %broadcast_in_dim3A_140, %slice3A_141 in 0 : vector<16x1xi32>, vector<16x1xi32> -> vector<32x1xi32>
    %add3A_143 = arith.addi %add3A_138, %concatenate3A_142 : vector<32x1xi32>
    %sub3A_144 = arith.constant 1 : i32
    %sub3A_145 = vector.broadcast %sub3A_144 : i32 to vector<32x128xi32>
    %sub3A_146 = arith.subi %add3A_117, %sub3A_145 : vector<32x128xi32>
    %sub3A_147 = arith.subi %add3A_143, %slice3A_118 : vector<32x1xi32>
    %add3A_148 = vector.broadcast %sub3A_147 : vector<32x1xi32> to vector<32x128xi32>
    %add3A_149 = arith.addi %sub3A_146, %add3A_148 : vector<32x128xi32>
    %mul3A_150 = arith.muli %add3A_149, %convert_element_type3A_82 : vector<32x128xi32>
    %add3A_151 = arith.addi %add3A_70, %mul3A_150 : vector<32x128xi32>
    %slice3A_152 = vector.extract_strided_slice %add3A_143 {offsets = [31, 0], sizes = [1, 1], strides = [1, 1]} : vector<32x1xi32> to vector<1x1xi32>
    %eq3A_153 = arith.constant 1 : i32
    %eq3A_154 = vector.broadcast %eq3A_153 : i32 to vector<1x128xi32>
    %eq3A_155 = arith.cmpi eq, %iota3A, %eq3A_154 : vector<1x128xi32>
    %convert_element_type3A_156 = arith.extui %eq3A_155 : vector<1x128xi1> to vector<1x128xi32>
    %mul3A_157 = vector.broadcast %slice3A_152 : vector<1x1xi32> to vector<1x128xi32>
    %mul3A_158 = arith.muli %mul3A_157, %convert_element_type3A_156 : vector<1x128xi32>
    %add3A_159 = arith.addi %add3A_78, %mul3A_158 : vector<1x128xi32>
    %eq3A_160 = arith.constant 2 : i32
    %eq3A_161 = vector.broadcast %eq3A_160 : i32 to vector<32x128xi32>
    %eq3A_162 = arith.cmpi eq, %get3A_1, %eq3A_161 : vector<32x128xi32>
    %convert_element_type3A_163 = arith.extui %eq3A_162 : vector<32x128xi1> to vector<32x128xi32>
    %broadcast_in_dim3A_164 = arith.constant 0 : i32
    %broadcast_in_dim3A_165 = vector.broadcast %broadcast_in_dim3A_164 : i32 to vector<32x1xi32>
    %slice3A_166 = vector.extract_strided_slice %convert_element_type3A_163 {offsets = [0, 0], sizes = [32, 127], strides = [1, 1]} : vector<32x128xi32> to vector<32x127xi32>
    %concatenate3A_167 = tpu.concatenate %broadcast_in_dim3A_165, %slice3A_166 in 1 : vector<32x1xi32>, vector<32x127xi32> -> vector<32x128xi32>
    %add3A_168 = arith.addi %convert_element_type3A_163, %concatenate3A_167 : vector<32x128xi32>
    %broadcast_in_dim3A_169 = arith.constant 0 : i32
    %broadcast_in_dim3A_170 = vector.broadcast %broadcast_in_dim3A_169 : i32 to vector<32x2xi32>
    %slice3A_171 = vector.extract_strided_slice %add3A_168 {offsets = [0, 0], sizes = [32, 126], strides = [1, 1]} : vector<32x128xi32> to vector<32x126xi32>
    %concatenate3A_172 = tpu.concatenate %broadcast_in_dim3A_170, %slice3A_171 in 1 : vector<32x2xi32>, vector<32x126xi32> -> vector<32x128xi32>
    %add3A_173 = arith.addi %add3A_168, %concatenate3A_172 : vector<32x128xi32>
    %broadcast_in_dim3A_174 = arith.constant 0 : i32
    %broadcast_in_dim3A_175 = vector.broadcast %broadcast_in_dim3A_174 : i32 to vector<32x4xi32>
    %slice3A_176 = vector.extract_strided_slice %add3A_173 {offsets = [0, 0], sizes = [32, 124], strides = [1, 1]} : vector<32x128xi32> to vector<32x124xi32>
    %concatenate3A_177 = tpu.concatenate %broadcast_in_dim3A_175, %slice3A_176 in 1 : vector<32x4xi32>, vector<32x124xi32> -> vector<32x128xi32>
    %add3A_178 = arith.addi %add3A_173, %concatenate3A_177 : vector<32x128xi32>
    %broadcast_in_dim3A_179 = arith.constant 0 : i32
    %broadcast_in_dim3A_180 = vector.broadcast %broadcast_in_dim3A_179 : i32 to vector<32x8xi32>
    %slice3A_181 = vector.extract_strided_slice %add3A_178 {offsets = [0, 0], sizes = [32, 120], strides = [1, 1]} : vector<32x128xi32> to vector<32x120xi32>
    %concatenate3A_182 = tpu.concatenate %broadcast_in_dim3A_180, %slice3A_181 in 1 : vector<32x8xi32>, vector<32x120xi32> -> vector<32x128xi32>
    %add3A_183 = arith.addi %add3A_178, %concatenate3A_182 : vector<32x128xi32>
    %broadcast_in_dim3A_184 = arith.constant 0 : i32
    %broadcast_in_dim3A_185 = vector.broadcast %broadcast_in_dim3A_184 : i32 to vector<32x16xi32>
    %slice3A_186 = vector.extract_strided_slice %add3A_183 {offsets = [0, 0], sizes = [32, 112], strides = [1, 1]} : vector<32x128xi32> to vector<32x112xi32>
    %concatenate3A_187 = tpu.concatenate %broadcast_in_dim3A_185, %slice3A_186 in 1 : vector<32x16xi32>, vector<32x112xi32> -> vector<32x128xi32>
    %add3A_188 = arith.addi %add3A_183, %concatenate3A_187 : vector<32x128xi32>
    %broadcast_in_dim3A_189 = arith.constant 0 : i32
    %broadcast_in_dim3A_190 = vector.broadcast %broadcast_in_dim3A_189 : i32 to vector<32x32xi32>
    %slice3A_191 = vector.extract_strided_slice %add3A_188 {offsets = [0, 0], sizes = [32, 96], strides = [1, 1]} : vector<32x128xi32> to vector<32x96xi32>
    %concatenate3A_192 = tpu.concatenate %broadcast_in_dim3A_190, %slice3A_191 in 1 : vector<32x32xi32>, vector<32x96xi32> -> vector<32x128xi32>
    %add3A_193 = arith.addi %add3A_188, %concatenate3A_192 : vector<32x128xi32>
    %broadcast_in_dim3A_194 = arith.constant 0 : i32
    %broadcast_in_dim3A_195 = vector.broadcast %broadcast_in_dim3A_194 : i32 to vector<32x64xi32>
    %slice3A_196 = vector.extract_strided_slice %add3A_193 {offsets = [0, 0], sizes = [32, 64], strides = [1, 1]} : vector<32x128xi32> to vector<32x64xi32>
    %concatenate3A_197 = tpu.concatenate %broadcast_in_dim3A_195, %slice3A_196 in 1 : vector<32x64xi32>, vector<32x64xi32> -> vector<32x128xi32>
    %add3A_198 = arith.addi %add3A_193, %concatenate3A_197 : vector<32x128xi32>
    %slice3A_199 = vector.extract_strided_slice %add3A_198 {offsets = [0, 127], sizes = [32, 1], strides = [1, 1]} : vector<32x128xi32> to vector<32x1xi32>
    %broadcast_in_dim3A_200 = arith.constant 0 : i32
    %broadcast_in_dim3A_201 = vector.broadcast %broadcast_in_dim3A_200 : i32 to vector<1x1xi32>
    %slice3A_202 = vector.extract_strided_slice %slice3A_199 {offsets = [0, 0], sizes = [31, 1], strides = [1, 1]} : vector<32x1xi32> to vector<31x1xi32>
    %concatenate3A_203 = tpu.concatenate %broadcast_in_dim3A_201, %slice3A_202 in 0 : vector<1x1xi32>, vector<31x1xi32> -> vector<32x1xi32>
    %add3A_204 = arith.addi %slice3A_199, %concatenate3A_203 : vector<32x1xi32>
    %broadcast_in_dim3A_205 = arith.constant 0 : i32
    %broadcast_in_dim3A_206 = vector.broadcast %broadcast_in_dim3A_205 : i32 to vector<2x1xi32>
    %slice3A_207 = vector.extract_strided_slice %add3A_204 {offsets = [0, 0], sizes = [30, 1], strides = [1, 1]} : vector<32x1xi32> to vector<30x1xi32>
    %concatenate3A_208 = tpu.concatenate %broadcast_in_dim3A_206, %slice3A_207 in 0 : vector<2x1xi32>, vector<30x1xi32> -> vector<32x1xi32>
    %add3A_209 = arith.addi %add3A_204, %concatenate3A_208 : vector<32x1xi32>
    %broadcast_in_dim3A_210 = arith.constant 0 : i32
    %broadcast_in_dim3A_211 = vector.broadcast %broadcast_in_dim3A_210 : i32 to vector<4x1xi32>
    %slice3A_212 = vector.extract_strided_slice %add3A_209 {offsets = [0, 0], sizes = [28, 1], strides = [1, 1]} : vector<32x1xi32> to vector<28x1xi32>
    %concatenate3A_213 = tpu.concatenate %broadcast_in_dim3A_211, %slice3A_212 in 0 : vector<4x1xi32>, vector<28x1xi32> -> vector<32x1xi32>
    %add3A_214 = arith.addi %add3A_209, %concatenate3A_213 : vector<32x1xi32>
    %broadcast_in_dim3A_215 = arith.constant 0 : i32
    %broadcast_in_dim3A_216 = vector.broadcast %broadcast_in_dim3A_215 : i32 to vector<8x1xi32>
    %slice3A_217 = vector.extract_strided_slice %add3A_214 {offsets = [0, 0], sizes = [24, 1], strides = [1, 1]} : vector<32x1xi32> to vector<24x1xi32>
    %concatenate3A_218 = tpu.concatenate %broadcast_in_dim3A_216, %slice3A_217 in 0 : vector<8x1xi32>, vector<24x1xi32> -> vector<32x1xi32>
    %add3A_219 = arith.addi %add3A_214, %concatenate3A_218 : vector<32x1xi32>
    %broadcast_in_dim3A_220 = arith.constant 0 : i32
    %broadcast_in_dim3A_221 = vector.broadcast %broadcast_in_dim3A_220 : i32 to vector<16x1xi32>
    %slice3A_222 = vector.extract_strided_slice %add3A_219 {offsets = [0, 0], sizes = [16, 1], strides = [1, 1]} : vector<32x1xi32> to vector<16x1xi32>
    %concatenate3A_223 = tpu.concatenate %broadcast_in_dim3A_221, %slice3A_222 in 0 : vector<16x1xi32>, vector<16x1xi32> -> vector<32x1xi32>
    %add3A_224 = arith.addi %add3A_219, %concatenate3A_223 : vector<32x1xi32>
    %sub3A_225 = arith.constant 1 : i32
    %sub3A_226 = vector.broadcast %sub3A_225 : i32 to vector<32x128xi32>
    %sub3A_227 = arith.subi %add3A_198, %sub3A_226 : vector<32x128xi32>
    %sub3A_228 = arith.subi %add3A_224, %slice3A_199 : vector<32x1xi32>
    %add3A_229 = vector.broadcast %sub3A_228 : vector<32x1xi32> to vector<32x128xi32>
    %add3A_230 = arith.addi %sub3A_227, %add3A_229 : vector<32x128xi32>
    %mul3A_231 = arith.muli %add3A_230, %convert_element_type3A_163 : vector<32x128xi32>
    %add3A_232 = arith.addi %add3A_151, %mul3A_231 : vector<32x128xi32>
    %slice3A_233 = vector.extract_strided_slice %add3A_224 {offsets = [31, 0], sizes = [1, 1], strides = [1, 1]} : vector<32x1xi32> to vector<1x1xi32>
    %eq3A_234 = arith.constant 2 : i32
    %eq3A_235 = vector.broadcast %eq3A_234 : i32 to vector<1x128xi32>
    %eq3A_236 = arith.cmpi eq, %iota3A, %eq3A_235 : vector<1x128xi32>
    %convert_element_type3A_237 = arith.extui %eq3A_236 : vector<1x128xi1> to vector<1x128xi32>
    %mul3A_238 = vector.broadcast %slice3A_233 : vector<1x1xi32> to vector<1x128xi32>
    %mul3A_239 = arith.muli %mul3A_238, %convert_element_type3A_237 : vector<1x128xi32>
    %add3A_240 = arith.addi %add3A_159, %mul3A_239 : vector<1x128xi32>
    %eq3A_241 = arith.constant 3 : i32
    %eq3A_242 = vector.broadcast %eq3A_241 : i32 to vector<32x128xi32>
    %eq3A_243 = arith.cmpi eq, %get3A_1, %eq3A_242 : vector<32x128xi32>
    %convert_element_type3A_244 = arith.extui %eq3A_243 : vector<32x128xi1> to vector<32x128xi32>
    %broadcast_in_dim3A_245 = arith.constant 0 : i32
    %broadcast_in_dim3A_246 = vector.broadcast %broadcast_in_dim3A_245 : i32 to vector<32x1xi32>
    %slice3A_247 = vector.extract_strided_slice %convert_element_type3A_244 {offsets = [0, 0], sizes = [32, 127], strides = [1, 1]} : vector<32x128xi32> to vector<32x127xi32>
    %concatenate3A_248 = tpu.concatenate %broadcast_in_dim3A_246, %slice3A_247 in 1 : vector<32x1xi32>, vector<32x127xi32> -> vector<32x128xi32>
    %add3A_249 = arith.addi %convert_element_type3A_244, %concatenate3A_248 : vector<32x128xi32>
    %broadcast_in_dim3A_250 = arith.constant 0 : i32
    %broadcast_in_dim3A_251 = vector.broadcast %broadcast_in_dim3A_250 : i32 to vector<32x2xi32>
    %slice3A_252 = vector.extract_strided_slice %add3A_249 {offsets = [0, 0], sizes = [32, 126], strides = [1, 1]} : vector<32x128xi32> to vector<32x126xi32>
    %concatenate3A_253 = tpu.concatenate %broadcast_in_dim3A_251, %slice3A_252 in 1 : vector<32x2xi32>, vector<32x126xi32> -> vector<32x128xi32>
    %add3A_254 = arith.addi %add3A_249, %concatenate3A_253 : vector<32x128xi32>
    %broadcast_in_dim3A_255 = arith.constant 0 : i32
    %broadcast_in_dim3A_256 = vector.broadcast %broadcast_in_dim3A_255 : i32 to vector<32x4xi32>
    %slice3A_257 = vector.extract_strided_slice %add3A_254 {offsets = [0, 0], sizes = [32, 124], strides = [1, 1]} : vector<32x128xi32> to vector<32x124xi32>
    %concatenate3A_258 = tpu.concatenate %broadcast_in_dim3A_256, %slice3A_257 in 1 : vector<32x4xi32>, vector<32x124xi32> -> vector<32x128xi32>
    %add3A_259 = arith.addi %add3A_254, %concatenate3A_258 : vector<32x128xi32>
    %broadcast_in_dim3A_260 = arith.constant 0 : i32
    %broadcast_in_dim3A_261 = vector.broadcast %broadcast_in_dim3A_260 : i32 to vector<32x8xi32>
    %slice3A_262 = vector.extract_strided_slice %add3A_259 {offsets = [0, 0], sizes = [32, 120], strides = [1, 1]} : vector<32x128xi32> to vector<32x120xi32>
    %concatenate3A_263 = tpu.concatenate %broadcast_in_dim3A_261, %slice3A_262 in 1 : vector<32x8xi32>, vector<32x120xi32> -> vector<32x128xi32>
    %add3A_264 = arith.addi %add3A_259, %concatenate3A_263 : vector<32x128xi32>
    %broadcast_in_dim3A_265 = arith.constant 0 : i32
    %broadcast_in_dim3A_266 = vector.broadcast %broadcast_in_dim3A_265 : i32 to vector<32x16xi32>
    %slice3A_267 = vector.extract_strided_slice %add3A_264 {offsets = [0, 0], sizes = [32, 112], strides = [1, 1]} : vector<32x128xi32> to vector<32x112xi32>
    %concatenate3A_268 = tpu.concatenate %broadcast_in_dim3A_266, %slice3A_267 in 1 : vector<32x16xi32>, vector<32x112xi32> -> vector<32x128xi32>
    %add3A_269 = arith.addi %add3A_264, %concatenate3A_268 : vector<32x128xi32>
    %broadcast_in_dim3A_270 = arith.constant 0 : i32
    %broadcast_in_dim3A_271 = vector.broadcast %broadcast_in_dim3A_270 : i32 to vector<32x32xi32>
    %slice3A_272 = vector.extract_strided_slice %add3A_269 {offsets = [0, 0], sizes = [32, 96], strides = [1, 1]} : vector<32x128xi32> to vector<32x96xi32>
    %concatenate3A_273 = tpu.concatenate %broadcast_in_dim3A_271, %slice3A_272 in 1 : vector<32x32xi32>, vector<32x96xi32> -> vector<32x128xi32>
    %add3A_274 = arith.addi %add3A_269, %concatenate3A_273 : vector<32x128xi32>
    %broadcast_in_dim3A_275 = arith.constant 0 : i32
    %broadcast_in_dim3A_276 = vector.broadcast %broadcast_in_dim3A_275 : i32 to vector<32x64xi32>
    %slice3A_277 = vector.extract_strided_slice %add3A_274 {offsets = [0, 0], sizes = [32, 64], strides = [1, 1]} : vector<32x128xi32> to vector<32x64xi32>
    %concatenate3A_278 = tpu.concatenate %broadcast_in_dim3A_276, %slice3A_277 in 1 : vector<32x64xi32>, vector<32x64xi32> -> vector<32x128xi32>
    %add3A_279 = arith.addi %add3A_274, %concatenate3A_278 : vector<32x128xi32>
    %slice3A_280 = vector.extract_strided_slice %add3A_279 {offsets = [0, 127], sizes = [32, 1], strides = [1, 1]} : vector<32x128xi32> to vector<32x1xi32>
    %broadcast_in_dim3A_281 = arith.constant 0 : i32
    %broadcast_in_dim3A_282 = vector.broadcast %broadcast_in_dim3A_281 : i32 to vector<1x1xi32>
    %slice3A_283 = vector.extract_strided_slice %slice3A_280 {offsets = [0, 0], sizes = [31, 1], strides = [1, 1]} : vector<32x1xi32> to vector<31x1xi32>
    %concatenate3A_284 = tpu.concatenate %broadcast_in_dim3A_282, %slice3A_283 in 0 : vector<1x1xi32>, vector<31x1xi32> -> vector<32x1xi32>
    %add3A_285 = arith.addi %slice3A_280, %concatenate3A_284 : vector<32x1xi32>
    %broadcast_in_dim3A_286 = arith.constant 0 : i32
    %broadcast_in_dim3A_287 = vector.broadcast %broadcast_in_dim3A_286 : i32 to vector<2x1xi32>
    %slice3A_288 = vector.extract_strided_slice %add3A_285 {offsets = [0, 0], sizes = [30, 1], strides = [1, 1]} : vector<32x1xi32> to vector<30x1xi32>
    %concatenate3A_289 = tpu.concatenate %broadcast_in_dim3A_287, %slice3A_288 in 0 : vector<2x1xi32>, vector<30x1xi32> -> vector<32x1xi32>
    %add3A_290 = arith.addi %add3A_285, %concatenate3A_289 : vector<32x1xi32>
    %broadcast_in_dim3A_291 = arith.constant 0 : i32
    %broadcast_in_dim3A_292 = vector.broadcast %broadcast_in_dim3A_291 : i32 to vector<4x1xi32>
    %slice3A_293 = vector.extract_strided_slice %add3A_290 {offsets = [0, 0], sizes = [28, 1], strides = [1, 1]} : vector<32x1xi32> to vector<28x1xi32>
    %concatenate3A_294 = tpu.concatenate %broadcast_in_dim3A_292, %slice3A_293 in 0 : vector<4x1xi32>, vector<28x1xi32> -> vector<32x1xi32>
    %add3A_295 = arith.addi %add3A_290, %concatenate3A_294 : vector<32x1xi32>
    %broadcast_in_dim3A_296 = arith.constant 0 : i32
    %broadcast_in_dim3A_297 = vector.broadcast %broadcast_in_dim3A_296 : i32 to vector<8x1xi32>
    %slice3A_298 = vector.extract_strided_slice %add3A_295 {offsets = [0, 0], sizes = [24, 1], strides = [1, 1]} : vector<32x1xi32> to vector<24x1xi32>
    %concatenate3A_299 = tpu.concatenate %broadcast_in_dim3A_297, %slice3A_298 in 0 : vector<8x1xi32>, vector<24x1xi32> -> vector<32x1xi32>
    %add3A_300 = arith.addi %add3A_295, %concatenate3A_299 : vector<32x1xi32>
    %broadcast_in_dim3A_301 = arith.constant 0 : i32
    %broadcast_in_dim3A_302 = vector.broadcast %broadcast_in_dim3A_301 : i32 to vector<16x1xi32>
    %slice3A_303 = vector.extract_strided_slice %add3A_300 {offsets = [0, 0], sizes = [16, 1], strides = [1, 1]} : vector<32x1xi32> to vector<16x1xi32>
    %concatenate3A_304 = tpu.concatenate %broadcast_in_dim3A_302, %slice3A_303 in 0 : vector<16x1xi32>, vector<16x1xi32> -> vector<32x1xi32>
    %add3A_305 = arith.addi %add3A_300, %concatenate3A_304 : vector<32x1xi32>
    %sub3A_306 = arith.constant 1 : i32
    %sub3A_307 = vector.broadcast %sub3A_306 : i32 to vector<32x128xi32>
    %sub3A_308 = arith.subi %add3A_279, %sub3A_307 : vector<32x128xi32>
    %sub3A_309 = arith.subi %add3A_305, %slice3A_280 : vector<32x1xi32>
    %add3A_310 = vector.broadcast %sub3A_309 : vector<32x1xi32> to vector<32x128xi32>
    %add3A_311 = arith.addi %sub3A_308, %add3A_310 : vector<32x128xi32>
    %mul3A_312 = arith.muli %add3A_311, %convert_element_type3A_244 : vector<32x128xi32>
    %add3A_313 = arith.addi %add3A_232, %mul3A_312 : vector<32x128xi32>
    %slice3A_314 = vector.extract_strided_slice %add3A_305 {offsets = [31, 0], sizes = [1, 1], strides = [1, 1]} : vector<32x1xi32> to vector<1x1xi32>
    %eq3A_315 = arith.constant 3 : i32
    %eq3A_316 = vector.broadcast %eq3A_315 : i32 to vector<1x128xi32>
    %eq3A_317 = arith.cmpi eq, %iota3A, %eq3A_316 : vector<1x128xi32>
    %convert_element_type3A_318 = arith.extui %eq3A_317 : vector<1x128xi1> to vector<1x128xi32>
    %mul3A_319 = vector.broadcast %slice3A_314 : vector<1x1xi32> to vector<1x128xi32>
    %mul3A_320 = arith.muli %mul3A_319, %convert_element_type3A_318 : vector<1x128xi32>
    %add3A_321 = arith.addi %add3A_240, %mul3A_320 : vector<1x128xi32>
    %eq3A_322 = arith.constant 4 : i32
    %eq3A_323 = vector.broadcast %eq3A_322 : i32 to vector<32x128xi32>
    %eq3A_324 = arith.cmpi eq, %get3A_1, %eq3A_323 : vector<32x128xi32>
    %convert_element_type3A_325 = arith.extui %eq3A_324 : vector<32x128xi1> to vector<32x128xi32>
    %broadcast_in_dim3A_326 = arith.constant 0 : i32
    %broadcast_in_dim3A_327 = vector.broadcast %broadcast_in_dim3A_326 : i32 to vector<32x1xi32>
    %slice3A_328 = vector.extract_strided_slice %convert_element_type3A_325 {offsets = [0, 0], sizes = [32, 127], strides = [1, 1]} : vector<32x128xi32> to vector<32x127xi32>
    %concatenate3A_329 = tpu.concatenate %broadcast_in_dim3A_327, %slice3A_328 in 1 : vector<32x1xi32>, vector<32x127xi32> -> vector<32x128xi32>
    %add3A_330 = arith.addi %convert_element_type3A_325, %concatenate3A_329 : vector<32x128xi32>
    %broadcast_in_dim3A_331 = arith.constant 0 : i32
    %broadcast_in_dim3A_332 = vector.broadcast %broadcast_in_dim3A_331 : i32 to vector<32x2xi32>
    %slice3A_333 = vector.extract_strided_slice %add3A_330 {offsets = [0, 0], sizes = [32, 126], strides = [1, 1]} : vector<32x128xi32> to vector<32x126xi32>
    %concatenate3A_334 = tpu.concatenate %broadcast_in_dim3A_332, %slice3A_333 in 1 : vector<32x2xi32>, vector<32x126xi32> -> vector<32x128xi32>
    %add3A_335 = arith.addi %add3A_330, %concatenate3A_334 : vector<32x128xi32>
    %broadcast_in_dim3A_336 = arith.constant 0 : i32
    %broadcast_in_dim3A_337 = vector.broadcast %broadcast_in_dim3A_336 : i32 to vector<32x4xi32>
    %slice3A_338 = vector.extract_strided_slice %add3A_335 {offsets = [0, 0], sizes = [32, 124], strides = [1, 1]} : vector<32x128xi32> to vector<32x124xi32>
    %concatenate3A_339 = tpu.concatenate %broadcast_in_dim3A_337, %slice3A_338 in 1 : vector<32x4xi32>, vector<32x124xi32> -> vector<32x128xi32>
    %add3A_340 = arith.addi %add3A_335, %concatenate3A_339 : vector<32x128xi32>
    %broadcast_in_dim3A_341 = arith.constant 0 : i32
    %broadcast_in_dim3A_342 = vector.broadcast %broadcast_in_dim3A_341 : i32 to vector<32x8xi32>
    %slice3A_343 = vector.extract_strided_slice %add3A_340 {offsets = [0, 0], sizes = [32, 120], strides = [1, 1]} : vector<32x128xi32> to vector<32x120xi32>
    %concatenate3A_344 = tpu.concatenate %broadcast_in_dim3A_342, %slice3A_343 in 1 : vector<32x8xi32>, vector<32x120xi32> -> vector<32x128xi32>
    %add3A_345 = arith.addi %add3A_340, %concatenate3A_344 : vector<32x128xi32>
    %broadcast_in_dim3A_346 = arith.constant 0 : i32
    %broadcast_in_dim3A_347 = vector.broadcast %broadcast_in_dim3A_346 : i32 to vector<32x16xi32>
    %slice3A_348 = vector.extract_strided_slice %add3A_345 {offsets = [0, 0], sizes = [32, 112], strides = [1, 1]} : vector<32x128xi32> to vector<32x112xi32>
    %concatenate3A_349 = tpu.concatenate %broadcast_in_dim3A_347, %slice3A_348 in 1 : vector<32x16xi32>, vector<32x112xi32> -> vector<32x128xi32>
    %add3A_350 = arith.addi %add3A_345, %concatenate3A_349 : vector<32x128xi32>
    %broadcast_in_dim3A_351 = arith.constant 0 : i32
    %broadcast_in_dim3A_352 = vector.broadcast %broadcast_in_dim3A_351 : i32 to vector<32x32xi32>
    %slice3A_353 = vector.extract_strided_slice %add3A_350 {offsets = [0, 0], sizes = [32, 96], strides = [1, 1]} : vector<32x128xi32> to vector<32x96xi32>
    %concatenate3A_354 = tpu.concatenate %broadcast_in_dim3A_352, %slice3A_353 in 1 : vector<32x32xi32>, vector<32x96xi32> -> vector<32x128xi32>
    %add3A_355 = arith.addi %add3A_350, %concatenate3A_354 : vector<32x128xi32>
    %broadcast_in_dim3A_356 = arith.constant 0 : i32
    %broadcast_in_dim3A_357 = vector.broadcast %broadcast_in_dim3A_356 : i32 to vector<32x64xi32>
    %slice3A_358 = vector.extract_strided_slice %add3A_355 {offsets = [0, 0], sizes = [32, 64], strides = [1, 1]} : vector<32x128xi32> to vector<32x64xi32>
    %concatenate3A_359 = tpu.concatenate %broadcast_in_dim3A_357, %slice3A_358 in 1 : vector<32x64xi32>, vector<32x64xi32> -> vector<32x128xi32>
    %add3A_360 = arith.addi %add3A_355, %concatenate3A_359 : vector<32x128xi32>
    %slice3A_361 = vector.extract_strided_slice %add3A_360 {offsets = [0, 127], sizes = [32, 1], strides = [1, 1]} : vector<32x128xi32> to vector<32x1xi32>
    %broadcast_in_dim3A_362 = arith.constant 0 : i32
    %broadcast_in_dim3A_363 = vector.broadcast %broadcast_in_dim3A_362 : i32 to vector<1x1xi32>
    %slice3A_364 = vector.extract_strided_slice %slice3A_361 {offsets = [0, 0], sizes = [31, 1], strides = [1, 1]} : vector<32x1xi32> to vector<31x1xi32>
    %concatenate3A_365 = tpu.concatenate %broadcast_in_dim3A_363, %slice3A_364 in 0 : vector<1x1xi32>, vector<31x1xi32> -> vector<32x1xi32>
    %add3A_366 = arith.addi %slice3A_361, %concatenate3A_365 : vector<32x1xi32>
    %broadcast_in_dim3A_367 = arith.constant 0 : i32
    %broadcast_in_dim3A_368 = vector.broadcast %broadcast_in_dim3A_367 : i32 to vector<2x1xi32>
    %slice3A_369 = vector.extract_strided_slice %add3A_366 {offsets = [0, 0], sizes = [30, 1], strides = [1, 1]} : vector<32x1xi32> to vector<30x1xi32>
    %concatenate3A_370 = tpu.concatenate %broadcast_in_dim3A_368, %slice3A_369 in 0 : vector<2x1xi32>, vector<30x1xi32> -> vector<32x1xi32>
    %add3A_371 = arith.addi %add3A_366, %concatenate3A_370 : vector<32x1xi32>
    %broadcast_in_dim3A_372 = arith.constant 0 : i32
    %broadcast_in_dim3A_373 = vector.broadcast %broadcast_in_dim3A_372 : i32 to vector<4x1xi32>
    %slice3A_374 = vector.extract_strided_slice %add3A_371 {offsets = [0, 0], sizes = [28, 1], strides = [1, 1]} : vector<32x1xi32> to vector<28x1xi32>
    %concatenate3A_375 = tpu.concatenate %broadcast_in_dim3A_373, %slice3A_374 in 0 : vector<4x1xi32>, vector<28x1xi32> -> vector<32x1xi32>
    %add3A_376 = arith.addi %add3A_371, %concatenate3A_375 : vector<32x1xi32>
    %broadcast_in_dim3A_377 = arith.constant 0 : i32
    %broadcast_in_dim3A_378 = vector.broadcast %broadcast_in_dim3A_377 : i32 to vector<8x1xi32>
    %slice3A_379 = vector.extract_strided_slice %add3A_376 {offsets = [0, 0], sizes = [24, 1], strides = [1, 1]} : vector<32x1xi32> to vector<24x1xi32>
    %concatenate3A_380 = tpu.concatenate %broadcast_in_dim3A_378, %slice3A_379 in 0 : vector<8x1xi32>, vector<24x1xi32> -> vector<32x1xi32>
    %add3A_381 = arith.addi %add3A_376, %concatenate3A_380 : vector<32x1xi32>
    %broadcast_in_dim3A_382 = arith.constant 0 : i32
    %broadcast_in_dim3A_383 = vector.broadcast %broadcast_in_dim3A_382 : i32 to vector<16x1xi32>
    %slice3A_384 = vector.extract_strided_slice %add3A_381 {offsets = [0, 0], sizes = [16, 1], strides = [1, 1]} : vector<32x1xi32> to vector<16x1xi32>
    %concatenate3A_385 = tpu.concatenate %broadcast_in_dim3A_383, %slice3A_384 in 0 : vector<16x1xi32>, vector<16x1xi32> -> vector<32x1xi32>
    %add3A_386 = arith.addi %add3A_381, %concatenate3A_385 : vector<32x1xi32>
    %sub3A_387 = arith.constant 1 : i32
    %sub3A_388 = vector.broadcast %sub3A_387 : i32 to vector<32x128xi32>
    %sub3A_389 = arith.subi %add3A_360, %sub3A_388 : vector<32x128xi32>
    %sub3A_390 = arith.subi %add3A_386, %slice3A_361 : vector<32x1xi32>
    %add3A_391 = vector.broadcast %sub3A_390 : vector<32x1xi32> to vector<32x128xi32>
    %add3A_392 = arith.addi %sub3A_389, %add3A_391 : vector<32x128xi32>
    %mul3A_393 = arith.muli %add3A_392, %convert_element_type3A_325 : vector<32x128xi32>
    %add3A_394 = arith.addi %add3A_313, %mul3A_393 : vector<32x128xi32>
    %slice3A_395 = vector.extract_strided_slice %add3A_386 {offsets = [31, 0], sizes = [1, 1], strides = [1, 1]} : vector<32x1xi32> to vector<1x1xi32>
    %eq3A_396 = arith.constant 4 : i32
    %eq3A_397 = vector.broadcast %eq3A_396 : i32 to vector<1x128xi32>
    %eq3A_398 = arith.cmpi eq, %iota3A, %eq3A_397 : vector<1x128xi32>
    %convert_element_type3A_399 = arith.extui %eq3A_398 : vector<1x128xi1> to vector<1x128xi32>
    %mul3A_400 = vector.broadcast %slice3A_395 : vector<1x1xi32> to vector<1x128xi32>
    %mul3A_401 = arith.muli %mul3A_400, %convert_element_type3A_399 : vector<1x128xi32>
    %add3A_402 = arith.addi %add3A_321, %mul3A_401 : vector<1x128xi32>
    %eq3A_403 = arith.constant 5 : i32
    %eq3A_404 = vector.broadcast %eq3A_403 : i32 to vector<32x128xi32>
    %eq3A_405 = arith.cmpi eq, %get3A_1, %eq3A_404 : vector<32x128xi32>
    %convert_element_type3A_406 = arith.extui %eq3A_405 : vector<32x128xi1> to vector<32x128xi32>
    %broadcast_in_dim3A_407 = arith.constant 0 : i32
    %broadcast_in_dim3A_408 = vector.broadcast %broadcast_in_dim3A_407 : i32 to vector<32x1xi32>
    %slice3A_409 = vector.extract_strided_slice %convert_element_type3A_406 {offsets = [0, 0], sizes = [32, 127], strides = [1, 1]} : vector<32x128xi32> to vector<32x127xi32>
    %concatenate3A_410 = tpu.concatenate %broadcast_in_dim3A_408, %slice3A_409 in 1 : vector<32x1xi32>, vector<32x127xi32> -> vector<32x128xi32>
    %add3A_411 = arith.addi %convert_element_type3A_406, %concatenate3A_410 : vector<32x128xi32>
    %broadcast_in_dim3A_412 = arith.constant 0 : i32
    %broadcast_in_dim3A_413 = vector.broadcast %broadcast_in_dim3A_412 : i32 to vector<32x2xi32>
    %slice3A_414 = vector.extract_strided_slice %add3A_411 {offsets = [0, 0], sizes = [32, 126], strides = [1, 1]} : vector<32x128xi32> to vector<32x126xi32>
    %concatenate3A_415 = tpu.concatenate %broadcast_in_dim3A_413, %slice3A_414 in 1 : vector<32x2xi32>, vector<32x126xi32> -> vector<32x128xi32>
    %add3A_416 = arith.addi %add3A_411, %concatenate3A_415 : vector<32x128xi32>
    %broadcast_in_dim3A_417 = arith.constant 0 : i32
    %broadcast_in_dim3A_418 = vector.broadcast %broadcast_in_dim3A_417 : i32 to vector<32x4xi32>
    %slice3A_419 = vector.extract_strided_slice %add3A_416 {offsets = [0, 0], sizes = [32, 124], strides = [1, 1]} : vector<32x128xi32> to vector<32x124xi32>
    %concatenate3A_420 = tpu.concatenate %broadcast_in_dim3A_418, %slice3A_419 in 1 : vector<32x4xi32>, vector<32x124xi32> -> vector<32x128xi32>
    %add3A_421 = arith.addi %add3A_416, %concatenate3A_420 : vector<32x128xi32>
    %broadcast_in_dim3A_422 = arith.constant 0 : i32
    %broadcast_in_dim3A_423 = vector.broadcast %broadcast_in_dim3A_422 : i32 to vector<32x8xi32>
    %slice3A_424 = vector.extract_strided_slice %add3A_421 {offsets = [0, 0], sizes = [32, 120], strides = [1, 1]} : vector<32x128xi32> to vector<32x120xi32>
    %concatenate3A_425 = tpu.concatenate %broadcast_in_dim3A_423, %slice3A_424 in 1 : vector<32x8xi32>, vector<32x120xi32> -> vector<32x128xi32>
    %add3A_426 = arith.addi %add3A_421, %concatenate3A_425 : vector<32x128xi32>
    %broadcast_in_dim3A_427 = arith.constant 0 : i32
    %broadcast_in_dim3A_428 = vector.broadcast %broadcast_in_dim3A_427 : i32 to vector<32x16xi32>
    %slice3A_429 = vector.extract_strided_slice %add3A_426 {offsets = [0, 0], sizes = [32, 112], strides = [1, 1]} : vector<32x128xi32> to vector<32x112xi32>
    %concatenate3A_430 = tpu.concatenate %broadcast_in_dim3A_428, %slice3A_429 in 1 : vector<32x16xi32>, vector<32x112xi32> -> vector<32x128xi32>
    %add3A_431 = arith.addi %add3A_426, %concatenate3A_430 : vector<32x128xi32>
    %broadcast_in_dim3A_432 = arith.constant 0 : i32
    %broadcast_in_dim3A_433 = vector.broadcast %broadcast_in_dim3A_432 : i32 to vector<32x32xi32>
    %slice3A_434 = vector.extract_strided_slice %add3A_431 {offsets = [0, 0], sizes = [32, 96], strides = [1, 1]} : vector<32x128xi32> to vector<32x96xi32>
    %concatenate3A_435 = tpu.concatenate %broadcast_in_dim3A_433, %slice3A_434 in 1 : vector<32x32xi32>, vector<32x96xi32> -> vector<32x128xi32>
    %add3A_436 = arith.addi %add3A_431, %concatenate3A_435 : vector<32x128xi32>
    %broadcast_in_dim3A_437 = arith.constant 0 : i32
    %broadcast_in_dim3A_438 = vector.broadcast %broadcast_in_dim3A_437 : i32 to vector<32x64xi32>
    %slice3A_439 = vector.extract_strided_slice %add3A_436 {offsets = [0, 0], sizes = [32, 64], strides = [1, 1]} : vector<32x128xi32> to vector<32x64xi32>
    %concatenate3A_440 = tpu.concatenate %broadcast_in_dim3A_438, %slice3A_439 in 1 : vector<32x64xi32>, vector<32x64xi32> -> vector<32x128xi32>
    %add3A_441 = arith.addi %add3A_436, %concatenate3A_440 : vector<32x128xi32>
    %slice3A_442 = vector.extract_strided_slice %add3A_441 {offsets = [0, 127], sizes = [32, 1], strides = [1, 1]} : vector<32x128xi32> to vector<32x1xi32>
    %broadcast_in_dim3A_443 = arith.constant 0 : i32
    %broadcast_in_dim3A_444 = vector.broadcast %broadcast_in_dim3A_443 : i32 to vector<1x1xi32>
    %slice3A_445 = vector.extract_strided_slice %slice3A_442 {offsets = [0, 0], sizes = [31, 1], strides = [1, 1]} : vector<32x1xi32> to vector<31x1xi32>
    %concatenate3A_446 = tpu.concatenate %broadcast_in_dim3A_444, %slice3A_445 in 0 : vector<1x1xi32>, vector<31x1xi32> -> vector<32x1xi32>
    %add3A_447 = arith.addi %slice3A_442, %concatenate3A_446 : vector<32x1xi32>
    %broadcast_in_dim3A_448 = arith.constant 0 : i32
    %broadcast_in_dim3A_449 = vector.broadcast %broadcast_in_dim3A_448 : i32 to vector<2x1xi32>
    %slice3A_450 = vector.extract_strided_slice %add3A_447 {offsets = [0, 0], sizes = [30, 1], strides = [1, 1]} : vector<32x1xi32> to vector<30x1xi32>
    %concatenate3A_451 = tpu.concatenate %broadcast_in_dim3A_449, %slice3A_450 in 0 : vector<2x1xi32>, vector<30x1xi32> -> vector<32x1xi32>
    %add3A_452 = arith.addi %add3A_447, %concatenate3A_451 : vector<32x1xi32>
    %broadcast_in_dim3A_453 = arith.constant 0 : i32
    %broadcast_in_dim3A_454 = vector.broadcast %broadcast_in_dim3A_453 : i32 to vector<4x1xi32>
    %slice3A_455 = vector.extract_strided_slice %add3A_452 {offsets = [0, 0], sizes = [28, 1], strides = [1, 1]} : vector<32x1xi32> to vector<28x1xi32>
    %concatenate3A_456 = tpu.concatenate %broadcast_in_dim3A_454, %slice3A_455 in 0 : vector<4x1xi32>, vector<28x1xi32> -> vector<32x1xi32>
    %add3A_457 = arith.addi %add3A_452, %concatenate3A_456 : vector<32x1xi32>
    %broadcast_in_dim3A_458 = arith.constant 0 : i32
    %broadcast_in_dim3A_459 = vector.broadcast %broadcast_in_dim3A_458 : i32 to vector<8x1xi32>
    %slice3A_460 = vector.extract_strided_slice %add3A_457 {offsets = [0, 0], sizes = [24, 1], strides = [1, 1]} : vector<32x1xi32> to vector<24x1xi32>
    %concatenate3A_461 = tpu.concatenate %broadcast_in_dim3A_459, %slice3A_460 in 0 : vector<8x1xi32>, vector<24x1xi32> -> vector<32x1xi32>
    %add3A_462 = arith.addi %add3A_457, %concatenate3A_461 : vector<32x1xi32>
    %broadcast_in_dim3A_463 = arith.constant 0 : i32
    %broadcast_in_dim3A_464 = vector.broadcast %broadcast_in_dim3A_463 : i32 to vector<16x1xi32>
    %slice3A_465 = vector.extract_strided_slice %add3A_462 {offsets = [0, 0], sizes = [16, 1], strides = [1, 1]} : vector<32x1xi32> to vector<16x1xi32>
    %concatenate3A_466 = tpu.concatenate %broadcast_in_dim3A_464, %slice3A_465 in 0 : vector<16x1xi32>, vector<16x1xi32> -> vector<32x1xi32>
    %add3A_467 = arith.addi %add3A_462, %concatenate3A_466 : vector<32x1xi32>
    %sub3A_468 = arith.constant 1 : i32
    %sub3A_469 = vector.broadcast %sub3A_468 : i32 to vector<32x128xi32>
    %sub3A_470 = arith.subi %add3A_441, %sub3A_469 : vector<32x128xi32>
    %sub3A_471 = arith.subi %add3A_467, %slice3A_442 : vector<32x1xi32>
    %add3A_472 = vector.broadcast %sub3A_471 : vector<32x1xi32> to vector<32x128xi32>
    %add3A_473 = arith.addi %sub3A_470, %add3A_472 : vector<32x128xi32>
    %mul3A_474 = arith.muli %add3A_473, %convert_element_type3A_406 : vector<32x128xi32>
    %add3A_475 = arith.addi %add3A_394, %mul3A_474 : vector<32x128xi32>
    %slice3A_476 = vector.extract_strided_slice %add3A_467 {offsets = [31, 0], sizes = [1, 1], strides = [1, 1]} : vector<32x1xi32> to vector<1x1xi32>
    %eq3A_477 = arith.constant 5 : i32
    %eq3A_478 = vector.broadcast %eq3A_477 : i32 to vector<1x128xi32>
    %eq3A_479 = arith.cmpi eq, %iota3A, %eq3A_478 : vector<1x128xi32>
    %convert_element_type3A_480 = arith.extui %eq3A_479 : vector<1x128xi1> to vector<1x128xi32>
    %mul3A_481 = vector.broadcast %slice3A_476 : vector<1x1xi32> to vector<1x128xi32>
    %mul3A_482 = arith.muli %mul3A_481, %convert_element_type3A_480 : vector<1x128xi32>
    %add3A_483 = arith.addi %add3A_402, %mul3A_482 : vector<1x128xi32>
    %eq3A_484 = arith.constant 6 : i32
    %eq3A_485 = vector.broadcast %eq3A_484 : i32 to vector<32x128xi32>
    %eq3A_486 = arith.cmpi eq, %get3A_1, %eq3A_485 : vector<32x128xi32>
    %convert_element_type3A_487 = arith.extui %eq3A_486 : vector<32x128xi1> to vector<32x128xi32>
    %broadcast_in_dim3A_488 = arith.constant 0 : i32
    %broadcast_in_dim3A_489 = vector.broadcast %broadcast_in_dim3A_488 : i32 to vector<32x1xi32>
    %slice3A_490 = vector.extract_strided_slice %convert_element_type3A_487 {offsets = [0, 0], sizes = [32, 127], strides = [1, 1]} : vector<32x128xi32> to vector<32x127xi32>
    %concatenate3A_491 = tpu.concatenate %broadcast_in_dim3A_489, %slice3A_490 in 1 : vector<32x1xi32>, vector<32x127xi32> -> vector<32x128xi32>
    %add3A_492 = arith.addi %convert_element_type3A_487, %concatenate3A_491 : vector<32x128xi32>
    %broadcast_in_dim3A_493 = arith.constant 0 : i32
    %broadcast_in_dim3A_494 = vector.broadcast %broadcast_in_dim3A_493 : i32 to vector<32x2xi32>
    %slice3A_495 = vector.extract_strided_slice %add3A_492 {offsets = [0, 0], sizes = [32, 126], strides = [1, 1]} : vector<32x128xi32> to vector<32x126xi32>
    %concatenate3A_496 = tpu.concatenate %broadcast_in_dim3A_494, %slice3A_495 in 1 : vector<32x2xi32>, vector<32x126xi32> -> vector<32x128xi32>
    %add3A_497 = arith.addi %add3A_492, %concatenate3A_496 : vector<32x128xi32>
    %broadcast_in_dim3A_498 = arith.constant 0 : i32
    %broadcast_in_dim3A_499 = vector.broadcast %broadcast_in_dim3A_498 : i32 to vector<32x4xi32>
    %slice3A_500 = vector.extract_strided_slice %add3A_497 {offsets = [0, 0], sizes = [32, 124], strides = [1, 1]} : vector<32x128xi32> to vector<32x124xi32>
    %concatenate3A_501 = tpu.concatenate %broadcast_in_dim3A_499, %slice3A_500 in 1 : vector<32x4xi32>, vector<32x124xi32> -> vector<32x128xi32>
    %add3A_502 = arith.addi %add3A_497, %concatenate3A_501 : vector<32x128xi32>
    %broadcast_in_dim3A_503 = arith.constant 0 : i32
    %broadcast_in_dim3A_504 = vector.broadcast %broadcast_in_dim3A_503 : i32 to vector<32x8xi32>
    %slice3A_505 = vector.extract_strided_slice %add3A_502 {offsets = [0, 0], sizes = [32, 120], strides = [1, 1]} : vector<32x128xi32> to vector<32x120xi32>
    %concatenate3A_506 = tpu.concatenate %broadcast_in_dim3A_504, %slice3A_505 in 1 : vector<32x8xi32>, vector<32x120xi32> -> vector<32x128xi32>
    %add3A_507 = arith.addi %add3A_502, %concatenate3A_506 : vector<32x128xi32>
    %broadcast_in_dim3A_508 = arith.constant 0 : i32
    %broadcast_in_dim3A_509 = vector.broadcast %broadcast_in_dim3A_508 : i32 to vector<32x16xi32>
    %slice3A_510 = vector.extract_strided_slice %add3A_507 {offsets = [0, 0], sizes = [32, 112], strides = [1, 1]} : vector<32x128xi32> to vector<32x112xi32>
    %concatenate3A_511 = tpu.concatenate %broadcast_in_dim3A_509, %slice3A_510 in 1 : vector<32x16xi32>, vector<32x112xi32> -> vector<32x128xi32>
    %add3A_512 = arith.addi %add3A_507, %concatenate3A_511 : vector<32x128xi32>
    %broadcast_in_dim3A_513 = arith.constant 0 : i32
    %broadcast_in_dim3A_514 = vector.broadcast %broadcast_in_dim3A_513 : i32 to vector<32x32xi32>
    %slice3A_515 = vector.extract_strided_slice %add3A_512 {offsets = [0, 0], sizes = [32, 96], strides = [1, 1]} : vector<32x128xi32> to vector<32x96xi32>
    %concatenate3A_516 = tpu.concatenate %broadcast_in_dim3A_514, %slice3A_515 in 1 : vector<32x32xi32>, vector<32x96xi32> -> vector<32x128xi32>
    %add3A_517 = arith.addi %add3A_512, %concatenate3A_516 : vector<32x128xi32>
    %broadcast_in_dim3A_518 = arith.constant 0 : i32
    %broadcast_in_dim3A_519 = vector.broadcast %broadcast_in_dim3A_518 : i32 to vector<32x64xi32>
    %slice3A_520 = vector.extract_strided_slice %add3A_517 {offsets = [0, 0], sizes = [32, 64], strides = [1, 1]} : vector<32x128xi32> to vector<32x64xi32>
    %concatenate3A_521 = tpu.concatenate %broadcast_in_dim3A_519, %slice3A_520 in 1 : vector<32x64xi32>, vector<32x64xi32> -> vector<32x128xi32>
    %add3A_522 = arith.addi %add3A_517, %concatenate3A_521 : vector<32x128xi32>
    %slice3A_523 = vector.extract_strided_slice %add3A_522 {offsets = [0, 127], sizes = [32, 1], strides = [1, 1]} : vector<32x128xi32> to vector<32x1xi32>
    %broadcast_in_dim3A_524 = arith.constant 0 : i32
    %broadcast_in_dim3A_525 = vector.broadcast %broadcast_in_dim3A_524 : i32 to vector<1x1xi32>
    %slice3A_526 = vector.extract_strided_slice %slice3A_523 {offsets = [0, 0], sizes = [31, 1], strides = [1, 1]} : vector<32x1xi32> to vector<31x1xi32>
    %concatenate3A_527 = tpu.concatenate %broadcast_in_dim3A_525, %slice3A_526 in 0 : vector<1x1xi32>, vector<31x1xi32> -> vector<32x1xi32>
    %add3A_528 = arith.addi %slice3A_523, %concatenate3A_527 : vector<32x1xi32>
    %broadcast_in_dim3A_529 = arith.constant 0 : i32
    %broadcast_in_dim3A_530 = vector.broadcast %broadcast_in_dim3A_529 : i32 to vector<2x1xi32>
    %slice3A_531 = vector.extract_strided_slice %add3A_528 {offsets = [0, 0], sizes = [30, 1], strides = [1, 1]} : vector<32x1xi32> to vector<30x1xi32>
    %concatenate3A_532 = tpu.concatenate %broadcast_in_dim3A_530, %slice3A_531 in 0 : vector<2x1xi32>, vector<30x1xi32> -> vector<32x1xi32>
    %add3A_533 = arith.addi %add3A_528, %concatenate3A_532 : vector<32x1xi32>
    %broadcast_in_dim3A_534 = arith.constant 0 : i32
    %broadcast_in_dim3A_535 = vector.broadcast %broadcast_in_dim3A_534 : i32 to vector<4x1xi32>
    %slice3A_536 = vector.extract_strided_slice %add3A_533 {offsets = [0, 0], sizes = [28, 1], strides = [1, 1]} : vector<32x1xi32> to vector<28x1xi32>
    %concatenate3A_537 = tpu.concatenate %broadcast_in_dim3A_535, %slice3A_536 in 0 : vector<4x1xi32>, vector<28x1xi32> -> vector<32x1xi32>
    %add3A_538 = arith.addi %add3A_533, %concatenate3A_537 : vector<32x1xi32>
    %broadcast_in_dim3A_539 = arith.constant 0 : i32
    %broadcast_in_dim3A_540 = vector.broadcast %broadcast_in_dim3A_539 : i32 to vector<8x1xi32>
    %slice3A_541 = vector.extract_strided_slice %add3A_538 {offsets = [0, 0], sizes = [24, 1], strides = [1, 1]} : vector<32x1xi32> to vector<24x1xi32>
    %concatenate3A_542 = tpu.concatenate %broadcast_in_dim3A_540, %slice3A_541 in 0 : vector<8x1xi32>, vector<24x1xi32> -> vector<32x1xi32>
    %add3A_543 = arith.addi %add3A_538, %concatenate3A_542 : vector<32x1xi32>
    %broadcast_in_dim3A_544 = arith.constant 0 : i32
    %broadcast_in_dim3A_545 = vector.broadcast %broadcast_in_dim3A_544 : i32 to vector<16x1xi32>
    %slice3A_546 = vector.extract_strided_slice %add3A_543 {offsets = [0, 0], sizes = [16, 1], strides = [1, 1]} : vector<32x1xi32> to vector<16x1xi32>
    %concatenate3A_547 = tpu.concatenate %broadcast_in_dim3A_545, %slice3A_546 in 0 : vector<16x1xi32>, vector<16x1xi32> -> vector<32x1xi32>
    %add3A_548 = arith.addi %add3A_543, %concatenate3A_547 : vector<32x1xi32>
    %sub3A_549 = arith.constant 1 : i32
    %sub3A_550 = vector.broadcast %sub3A_549 : i32 to vector<32x128xi32>
    %sub3A_551 = arith.subi %add3A_522, %sub3A_550 : vector<32x128xi32>
    %sub3A_552 = arith.subi %add3A_548, %slice3A_523 : vector<32x1xi32>
    %add3A_553 = vector.broadcast %sub3A_552 : vector<32x1xi32> to vector<32x128xi32>
    %add3A_554 = arith.addi %sub3A_551, %add3A_553 : vector<32x128xi32>
    %mul3A_555 = arith.muli %add3A_554, %convert_element_type3A_487 : vector<32x128xi32>
    %add3A_556 = arith.addi %add3A_475, %mul3A_555 : vector<32x128xi32>
    %slice3A_557 = vector.extract_strided_slice %add3A_548 {offsets = [31, 0], sizes = [1, 1], strides = [1, 1]} : vector<32x1xi32> to vector<1x1xi32>
    %eq3A_558 = arith.constant 6 : i32
    %eq3A_559 = vector.broadcast %eq3A_558 : i32 to vector<1x128xi32>
    %eq3A_560 = arith.cmpi eq, %iota3A, %eq3A_559 : vector<1x128xi32>
    %convert_element_type3A_561 = arith.extui %eq3A_560 : vector<1x128xi1> to vector<1x128xi32>
    %mul3A_562 = vector.broadcast %slice3A_557 : vector<1x1xi32> to vector<1x128xi32>
    %mul3A_563 = arith.muli %mul3A_562, %convert_element_type3A_561 : vector<1x128xi32>
    %add3A_564 = arith.addi %add3A_483, %mul3A_563 : vector<1x128xi32>
    %eq3A_565 = arith.constant 7 : i32
    %eq3A_566 = vector.broadcast %eq3A_565 : i32 to vector<32x128xi32>
    %eq3A_567 = arith.cmpi eq, %get3A_1, %eq3A_566 : vector<32x128xi32>
    %convert_element_type3A_568 = arith.extui %eq3A_567 : vector<32x128xi1> to vector<32x128xi32>
    %broadcast_in_dim3A_569 = arith.constant 0 : i32
    %broadcast_in_dim3A_570 = vector.broadcast %broadcast_in_dim3A_569 : i32 to vector<32x1xi32>
    %slice3A_571 = vector.extract_strided_slice %convert_element_type3A_568 {offsets = [0, 0], sizes = [32, 127], strides = [1, 1]} : vector<32x128xi32> to vector<32x127xi32>
    %concatenate3A_572 = tpu.concatenate %broadcast_in_dim3A_570, %slice3A_571 in 1 : vector<32x1xi32>, vector<32x127xi32> -> vector<32x128xi32>
    %add3A_573 = arith.addi %convert_element_type3A_568, %concatenate3A_572 : vector<32x128xi32>
    %broadcast_in_dim3A_574 = arith.constant 0 : i32
    %broadcast_in_dim3A_575 = vector.broadcast %broadcast_in_dim3A_574 : i32 to vector<32x2xi32>
    %slice3A_576 = vector.extract_strided_slice %add3A_573 {offsets = [0, 0], sizes = [32, 126], strides = [1, 1]} : vector<32x128xi32> to vector<32x126xi32>
    %concatenate3A_577 = tpu.concatenate %broadcast_in_dim3A_575, %slice3A_576 in 1 : vector<32x2xi32>, vector<32x126xi32> -> vector<32x128xi32>
    %add3A_578 = arith.addi %add3A_573, %concatenate3A_577 : vector<32x128xi32>
    %broadcast_in_dim3A_579 = arith.constant 0 : i32
    %broadcast_in_dim3A_580 = vector.broadcast %broadcast_in_dim3A_579 : i32 to vector<32x4xi32>
    %slice3A_581 = vector.extract_strided_slice %add3A_578 {offsets = [0, 0], sizes = [32, 124], strides = [1, 1]} : vector<32x128xi32> to vector<32x124xi32>
    %concatenate3A_582 = tpu.concatenate %broadcast_in_dim3A_580, %slice3A_581 in 1 : vector<32x4xi32>, vector<32x124xi32> -> vector<32x128xi32>
    %add3A_583 = arith.addi %add3A_578, %concatenate3A_582 : vector<32x128xi32>
    %broadcast_in_dim3A_584 = arith.constant 0 : i32
    %broadcast_in_dim3A_585 = vector.broadcast %broadcast_in_dim3A_584 : i32 to vector<32x8xi32>
    %slice3A_586 = vector.extract_strided_slice %add3A_583 {offsets = [0, 0], sizes = [32, 120], strides = [1, 1]} : vector<32x128xi32> to vector<32x120xi32>
    %concatenate3A_587 = tpu.concatenate %broadcast_in_dim3A_585, %slice3A_586 in 1 : vector<32x8xi32>, vector<32x120xi32> -> vector<32x128xi32>
    %add3A_588 = arith.addi %add3A_583, %concatenate3A_587 : vector<32x128xi32>
    %broadcast_in_dim3A_589 = arith.constant 0 : i32
    %broadcast_in_dim3A_590 = vector.broadcast %broadcast_in_dim3A_589 : i32 to vector<32x16xi32>
    %slice3A_591 = vector.extract_strided_slice %add3A_588 {offsets = [0, 0], sizes = [32, 112], strides = [1, 1]} : vector<32x128xi32> to vector<32x112xi32>
    %concatenate3A_592 = tpu.concatenate %broadcast_in_dim3A_590, %slice3A_591 in 1 : vector<32x16xi32>, vector<32x112xi32> -> vector<32x128xi32>
    %add3A_593 = arith.addi %add3A_588, %concatenate3A_592 : vector<32x128xi32>
    %broadcast_in_dim3A_594 = arith.constant 0 : i32
    %broadcast_in_dim3A_595 = vector.broadcast %broadcast_in_dim3A_594 : i32 to vector<32x32xi32>
    %slice3A_596 = vector.extract_strided_slice %add3A_593 {offsets = [0, 0], sizes = [32, 96], strides = [1, 1]} : vector<32x128xi32> to vector<32x96xi32>
    %concatenate3A_597 = tpu.concatenate %broadcast_in_dim3A_595, %slice3A_596 in 1 : vector<32x32xi32>, vector<32x96xi32> -> vector<32x128xi32>
    %add3A_598 = arith.addi %add3A_593, %concatenate3A_597 : vector<32x128xi32>
    %broadcast_in_dim3A_599 = arith.constant 0 : i32
    %broadcast_in_dim3A_600 = vector.broadcast %broadcast_in_dim3A_599 : i32 to vector<32x64xi32>
    %slice3A_601 = vector.extract_strided_slice %add3A_598 {offsets = [0, 0], sizes = [32, 64], strides = [1, 1]} : vector<32x128xi32> to vector<32x64xi32>
    %concatenate3A_602 = tpu.concatenate %broadcast_in_dim3A_600, %slice3A_601 in 1 : vector<32x64xi32>, vector<32x64xi32> -> vector<32x128xi32>
    %add3A_603 = arith.addi %add3A_598, %concatenate3A_602 : vector<32x128xi32>
    %slice3A_604 = vector.extract_strided_slice %add3A_603 {offsets = [0, 127], sizes = [32, 1], strides = [1, 1]} : vector<32x128xi32> to vector<32x1xi32>
    %broadcast_in_dim3A_605 = arith.constant 0 : i32
    %broadcast_in_dim3A_606 = vector.broadcast %broadcast_in_dim3A_605 : i32 to vector<1x1xi32>
    %slice3A_607 = vector.extract_strided_slice %slice3A_604 {offsets = [0, 0], sizes = [31, 1], strides = [1, 1]} : vector<32x1xi32> to vector<31x1xi32>
    %concatenate3A_608 = tpu.concatenate %broadcast_in_dim3A_606, %slice3A_607 in 0 : vector<1x1xi32>, vector<31x1xi32> -> vector<32x1xi32>
    %add3A_609 = arith.addi %slice3A_604, %concatenate3A_608 : vector<32x1xi32>
    %broadcast_in_dim3A_610 = arith.constant 0 : i32
    %broadcast_in_dim3A_611 = vector.broadcast %broadcast_in_dim3A_610 : i32 to vector<2x1xi32>
    %slice3A_612 = vector.extract_strided_slice %add3A_609 {offsets = [0, 0], sizes = [30, 1], strides = [1, 1]} : vector<32x1xi32> to vector<30x1xi32>
    %concatenate3A_613 = tpu.concatenate %broadcast_in_dim3A_611, %slice3A_612 in 0 : vector<2x1xi32>, vector<30x1xi32> -> vector<32x1xi32>
    %add3A_614 = arith.addi %add3A_609, %concatenate3A_613 : vector<32x1xi32>
    %broadcast_in_dim3A_615 = arith.constant 0 : i32
    %broadcast_in_dim3A_616 = vector.broadcast %broadcast_in_dim3A_615 : i32 to vector<4x1xi32>
    %slice3A_617 = vector.extract_strided_slice %add3A_614 {offsets = [0, 0], sizes = [28, 1], strides = [1, 1]} : vector<32x1xi32> to vector<28x1xi32>
    %concatenate3A_618 = tpu.concatenate %broadcast_in_dim3A_616, %slice3A_617 in 0 : vector<4x1xi32>, vector<28x1xi32> -> vector<32x1xi32>
    %add3A_619 = arith.addi %add3A_614, %concatenate3A_618 : vector<32x1xi32>
    %broadcast_in_dim3A_620 = arith.constant 0 : i32
    %broadcast_in_dim3A_621 = vector.broadcast %broadcast_in_dim3A_620 : i32 to vector<8x1xi32>
    %slice3A_622 = vector.extract_strided_slice %add3A_619 {offsets = [0, 0], sizes = [24, 1], strides = [1, 1]} : vector<32x1xi32> to vector<24x1xi32>
    %concatenate3A_623 = tpu.concatenate %broadcast_in_dim3A_621, %slice3A_622 in 0 : vector<8x1xi32>, vector<24x1xi32> -> vector<32x1xi32>
    %add3A_624 = arith.addi %add3A_619, %concatenate3A_623 : vector<32x1xi32>
    %broadcast_in_dim3A_625 = arith.constant 0 : i32
    %broadcast_in_dim3A_626 = vector.broadcast %broadcast_in_dim3A_625 : i32 to vector<16x1xi32>
    %slice3A_627 = vector.extract_strided_slice %add3A_624 {offsets = [0, 0], sizes = [16, 1], strides = [1, 1]} : vector<32x1xi32> to vector<16x1xi32>
    %concatenate3A_628 = tpu.concatenate %broadcast_in_dim3A_626, %slice3A_627 in 0 : vector<16x1xi32>, vector<16x1xi32> -> vector<32x1xi32>
    %add3A_629 = arith.addi %add3A_624, %concatenate3A_628 : vector<32x1xi32>
    %sub3A_630 = arith.constant 1 : i32
    %sub3A_631 = vector.broadcast %sub3A_630 : i32 to vector<32x128xi32>
    %sub3A_632 = arith.subi %add3A_603, %sub3A_631 : vector<32x128xi32>
    %sub3A_633 = arith.subi %add3A_629, %slice3A_604 : vector<32x1xi32>
    %add3A_634 = vector.broadcast %sub3A_633 : vector<32x1xi32> to vector<32x128xi32>
    %add3A_635 = arith.addi %sub3A_632, %add3A_634 : vector<32x128xi32>
    %mul3A_636 = arith.muli %add3A_635, %convert_element_type3A_568 : vector<32x128xi32>
    %add3A_637 = arith.addi %add3A_556, %mul3A_636 : vector<32x128xi32>
    %slice3A_638 = vector.extract_strided_slice %add3A_629 {offsets = [31, 0], sizes = [1, 1], strides = [1, 1]} : vector<32x1xi32> to vector<1x1xi32>
    %eq3A_639 = arith.constant 7 : i32
    %eq3A_640 = vector.broadcast %eq3A_639 : i32 to vector<1x128xi32>
    %eq3A_641 = arith.cmpi eq, %iota3A, %eq3A_640 : vector<1x128xi32>
    %convert_element_type3A_642 = arith.extui %eq3A_641 : vector<1x128xi1> to vector<1x128xi32>
    %mul3A_643 = vector.broadcast %slice3A_638 : vector<1x1xi32> to vector<1x128xi32>
    %mul3A_644 = arith.muli %mul3A_643, %convert_element_type3A_642 : vector<1x128xi32>
    %add3A_645 = arith.addi %add3A_564, %mul3A_644 : vector<1x128xi32>
    %broadcast_in_dim3A_646 = arith.constant 0 : i32
    %broadcast_in_dim3A_647 = vector.broadcast %broadcast_in_dim3A_646 : i32 to vector<1x1xi32>
    %slice3A_648 = vector.extract_strided_slice %add3A_645 {offsets = [0, 0], sizes = [1, 127], strides = [1, 1]} : vector<1x128xi32> to vector<1x127xi32>
    %concatenate3A_649 = tpu.concatenate %broadcast_in_dim3A_647, %slice3A_648 in 1 : vector<1x1xi32>, vector<1x127xi32> -> vector<1x128xi32>
    %add3A_650 = arith.addi %add3A_645, %concatenate3A_649 : vector<1x128xi32>
    %broadcast_in_dim3A_651 = arith.constant 0 : i32
    %broadcast_in_dim3A_652 = vector.broadcast %broadcast_in_dim3A_651 : i32 to vector<1x2xi32>
    %slice3A_653 = vector.extract_strided_slice %add3A_650 {offsets = [0, 0], sizes = [1, 126], strides = [1, 1]} : vector<1x128xi32> to vector<1x126xi32>
    %concatenate3A_654 = tpu.concatenate %broadcast_in_dim3A_652, %slice3A_653 in 1 : vector<1x2xi32>, vector<1x126xi32> -> vector<1x128xi32>
    %add3A_655 = arith.addi %add3A_650, %concatenate3A_654 : vector<1x128xi32>
    %broadcast_in_dim3A_656 = arith.constant 0 : i32
    %broadcast_in_dim3A_657 = vector.broadcast %broadcast_in_dim3A_656 : i32 to vector<1x4xi32>
    %slice3A_658 = vector.extract_strided_slice %add3A_655 {offsets = [0, 0], sizes = [1, 124], strides = [1, 1]} : vector<1x128xi32> to vector<1x124xi32>
    %concatenate3A_659 = tpu.concatenate %broadcast_in_dim3A_657, %slice3A_658 in 1 : vector<1x4xi32>, vector<1x124xi32> -> vector<1x128xi32>
    %add3A_660 = arith.addi %add3A_655, %concatenate3A_659 : vector<1x128xi32>
    %broadcast_in_dim3A_661 = arith.constant 0 : i32
    %broadcast_in_dim3A_662 = vector.broadcast %broadcast_in_dim3A_661 : i32 to vector<1x8xi32>
    %slice3A_663 = vector.extract_strided_slice %add3A_660 {offsets = [0, 0], sizes = [1, 120], strides = [1, 1]} : vector<1x128xi32> to vector<1x120xi32>
    %concatenate3A_664 = tpu.concatenate %broadcast_in_dim3A_662, %slice3A_663 in 1 : vector<1x8xi32>, vector<1x120xi32> -> vector<1x128xi32>
    %add3A_665 = arith.addi %add3A_660, %concatenate3A_664 : vector<1x128xi32>
    %broadcast_in_dim3A_666 = arith.constant 0 : i32
    %broadcast_in_dim3A_667 = vector.broadcast %broadcast_in_dim3A_666 : i32 to vector<1x16xi32>
    %slice3A_668 = vector.extract_strided_slice %add3A_665 {offsets = [0, 0], sizes = [1, 112], strides = [1, 1]} : vector<1x128xi32> to vector<1x112xi32>
    %concatenate3A_669 = tpu.concatenate %broadcast_in_dim3A_667, %slice3A_668 in 1 : vector<1x16xi32>, vector<1x112xi32> -> vector<1x128xi32>
    %add3A_670 = arith.addi %add3A_665, %concatenate3A_669 : vector<1x128xi32>
    %broadcast_in_dim3A_671 = arith.constant 0 : i32
    %broadcast_in_dim3A_672 = vector.broadcast %broadcast_in_dim3A_671 : i32 to vector<1x32xi32>
    %slice3A_673 = vector.extract_strided_slice %add3A_670 {offsets = [0, 0], sizes = [1, 96], strides = [1, 1]} : vector<1x128xi32> to vector<1x96xi32>
    %concatenate3A_674 = tpu.concatenate %broadcast_in_dim3A_672, %slice3A_673 in 1 : vector<1x32xi32>, vector<1x96xi32> -> vector<1x128xi32>
    %add3A_675 = arith.addi %add3A_670, %concatenate3A_674 : vector<1x128xi32>
    %broadcast_in_dim3A_676 = arith.constant 0 : i32
    %broadcast_in_dim3A_677 = vector.broadcast %broadcast_in_dim3A_676 : i32 to vector<1x64xi32>
    %slice3A_678 = vector.extract_strided_slice %add3A_675 {offsets = [0, 0], sizes = [1, 64], strides = [1, 1]} : vector<1x128xi32> to vector<1x64xi32>
    %concatenate3A_679 = tpu.concatenate %broadcast_in_dim3A_677, %slice3A_678 in 1 : vector<1x64xi32>, vector<1x64xi32> -> vector<1x128xi32>
    %add3A_680 = arith.addi %add3A_675, %concatenate3A_679 : vector<1x128xi32>
    %sub3A_681 = arith.subi %add3A_680, %add3A_645 : vector<1x128xi32>
    %add3A_682 = arith.addi %sub3A_681, %add3A_645 : vector<1x128xi32>
    %eq3A_683 = arith.constant 0 : i32
    %eq3A_684 = vector.broadcast %eq3A_683 : i32 to vector<32x128xi32>
    %eq3A_685 = arith.cmpi eq, %get3A_1, %eq3A_684 : vector<32x128xi32>
    %convert_element_type3A_686 = arith.extui %eq3A_685 : vector<32x128xi1> to vector<32x128xi32>
    %slice3A_687 = vector.extract_strided_slice %sub3A_681 {offsets = [0, 0], sizes = [1, 1], strides = [1, 1]} : vector<1x128xi32> to vector<1x1xi32>
    %mul3A_688 = vector.broadcast %slice3A_687 : vector<1x1xi32> to vector<32x128xi32>
    %mul3A_689 = arith.muli %convert_element_type3A_686, %mul3A_688 : vector<32x128xi32>
    %add3A_690 = arith.addi %add3A_637, %mul3A_689 : vector<32x128xi32>
    %eq3A_691 = arith.constant 1 : i32
    %eq3A_692 = vector.broadcast %eq3A_691 : i32 to vector<32x128xi32>
    %eq3A_693 = arith.cmpi eq, %get3A_1, %eq3A_692 : vector<32x128xi32>
    %convert_element_type3A_694 = arith.extui %eq3A_693 : vector<32x128xi1> to vector<32x128xi32>
    %slice3A_695 = vector.extract_strided_slice %sub3A_681 {offsets = [0, 1], sizes = [1, 1], strides = [1, 1]} : vector<1x128xi32> to vector<1x1xi32>
    %mul3A_696 = vector.broadcast %slice3A_695 : vector<1x1xi32> to vector<32x128xi32>
    %mul3A_697 = arith.muli %convert_element_type3A_694, %mul3A_696 : vector<32x128xi32>
    %add3A_698 = arith.addi %add3A_690, %mul3A_697 : vector<32x128xi32>
    %eq3A_699 = arith.constant 2 : i32
    %eq3A_700 = vector.broadcast %eq3A_699 : i32 to vector<32x128xi32>
    %eq3A_701 = arith.cmpi eq, %get3A_1, %eq3A_700 : vector<32x128xi32>
    %convert_element_type3A_702 = arith.extui %eq3A_701 : vector<32x128xi1> to vector<32x128xi32>
    %slice3A_703 = vector.extract_strided_slice %sub3A_681 {offsets = [0, 2], sizes = [1, 1], strides = [1, 1]} : vector<1x128xi32> to vector<1x1xi32>
    %mul3A_704 = vector.broadcast %slice3A_703 : vector<1x1xi32> to vector<32x128xi32>
    %mul3A_705 = arith.muli %convert_element_type3A_702, %mul3A_704 : vector<32x128xi32>
    %add3A_706 = arith.addi %add3A_698, %mul3A_705 : vector<32x128xi32>
    %eq3A_707 = arith.constant 3 : i32
    %eq3A_708 = vector.broadcast %eq3A_707 : i32 to vector<32x128xi32>
    %eq3A_709 = arith.cmpi eq, %get3A_1, %eq3A_708 : vector<32x128xi32>
    %convert_element_type3A_710 = arith.extui %eq3A_709 : vector<32x128xi1> to vector<32x128xi32>
    %slice3A_711 = vector.extract_strided_slice %sub3A_681 {offsets = [0, 3], sizes = [1, 1], strides = [1, 1]} : vector<1x128xi32> to vector<1x1xi32>
    %mul3A_712 = vector.broadcast %slice3A_711 : vector<1x1xi32> to vector<32x128xi32>
    %mul3A_713 = arith.muli %convert_element_type3A_710, %mul3A_712 : vector<32x128xi32>
    %add3A_714 = arith.addi %add3A_706, %mul3A_713 : vector<32x128xi32>
    %eq3A_715 = arith.constant 4 : i32
    %eq3A_716 = vector.broadcast %eq3A_715 : i32 to vector<32x128xi32>
    %eq3A_717 = arith.cmpi eq, %get3A_1, %eq3A_716 : vector<32x128xi32>
    %convert_element_type3A_718 = arith.extui %eq3A_717 : vector<32x128xi1> to vector<32x128xi32>
    %slice3A_719 = vector.extract_strided_slice %sub3A_681 {offsets = [0, 4], sizes = [1, 1], strides = [1, 1]} : vector<1x128xi32> to vector<1x1xi32>
    %mul3A_720 = vector.broadcast %slice3A_719 : vector<1x1xi32> to vector<32x128xi32>
    %mul3A_721 = arith.muli %convert_element_type3A_718, %mul3A_720 : vector<32x128xi32>
    %add3A_722 = arith.addi %add3A_714, %mul3A_721 : vector<32x128xi32>
    %eq3A_723 = arith.constant 5 : i32
    %eq3A_724 = vector.broadcast %eq3A_723 : i32 to vector<32x128xi32>
    %eq3A_725 = arith.cmpi eq, %get3A_1, %eq3A_724 : vector<32x128xi32>
    %convert_element_type3A_726 = arith.extui %eq3A_725 : vector<32x128xi1> to vector<32x128xi32>
    %slice3A_727 = vector.extract_strided_slice %sub3A_681 {offsets = [0, 5], sizes = [1, 1], strides = [1, 1]} : vector<1x128xi32> to vector<1x1xi32>
    %mul3A_728 = vector.broadcast %slice3A_727 : vector<1x1xi32> to vector<32x128xi32>
    %mul3A_729 = arith.muli %convert_element_type3A_726, %mul3A_728 : vector<32x128xi32>
    %add3A_730 = arith.addi %add3A_722, %mul3A_729 : vector<32x128xi32>
    %eq3A_731 = arith.constant 6 : i32
    %eq3A_732 = vector.broadcast %eq3A_731 : i32 to vector<32x128xi32>
    %eq3A_733 = arith.cmpi eq, %get3A_1, %eq3A_732 : vector<32x128xi32>
    %convert_element_type3A_734 = arith.extui %eq3A_733 : vector<32x128xi1> to vector<32x128xi32>
    %slice3A_735 = vector.extract_strided_slice %sub3A_681 {offsets = [0, 6], sizes = [1, 1], strides = [1, 1]} : vector<1x128xi32> to vector<1x1xi32>
    %mul3A_736 = vector.broadcast %slice3A_735 : vector<1x1xi32> to vector<32x128xi32>
    %mul3A_737 = arith.muli %convert_element_type3A_734, %mul3A_736 : vector<32x128xi32>
    %add3A_738 = arith.addi %add3A_730, %mul3A_737 : vector<32x128xi32>
    %eq3A_739 = arith.constant 7 : i32
    %eq3A_740 = vector.broadcast %eq3A_739 : i32 to vector<32x128xi32>
    %eq3A_741 = arith.cmpi eq, %get3A_1, %eq3A_740 : vector<32x128xi32>
    %convert_element_type3A_742 = arith.extui %eq3A_741 : vector<32x128xi1> to vector<32x128xi32>
    %slice3A_743 = vector.extract_strided_slice %sub3A_681 {offsets = [0, 7], sizes = [1, 1], strides = [1, 1]} : vector<1x128xi32> to vector<1x1xi32>
    %mul3A_744 = vector.broadcast %slice3A_743 : vector<1x1xi32> to vector<32x128xi32>
    %mul3A_745 = arith.muli %convert_element_type3A_742, %mul3A_744 : vector<32x128xi32>
    %add3A_746 = arith.addi %add3A_738, %mul3A_745 : vector<32x128xi32>
    %swap3A = arith.constant 0 : index
    %swap3A_747 = arith.constant 0 : index
    %swap3A_748 = vector.load %arg1[%swap3A, %swap3A_747] : memref<32x128xi32, #tpu.memory_space<vmem>>, vector<32x128xi32>
    tpu.vector_store %arg1[%swap3A, %swap3A_747], %add3A_746 {strides = array<i32>} : memref<32x128xi32, #tpu.memory_space<vmem>>, vector<32x128xi32>,
    %jit3A = arith.constant 256 : i32
    %div3A = vector.broadcast %jit3A : i32 to vector<1x128xi32>
    %div3A_749 = arith.divsi %sub3A_681, %div3A : vector<1x128xi32>
    %sign3A = arith.constant 0 : i32
    %sign3A_750 = vector.broadcast %sign3A : i32 to vector<1x128xi32>
    %sign3A_751 = arith.cmpi sgt, %sub3A_681, %sign3A_750 : vector<1x128xi32>
    %sign3A_752 = arith.extui %sign3A_751 : vector<1x128xi1> to vector<1x128xi32>
    %sign3A_753 = arith.constant 0 : i32
    %sign3A_754 = vector.broadcast %sign3A_753 : i32 to vector<1x128xi32>
    %sign3A_755 = arith.cmpi slt, %sub3A_681, %sign3A_754 : vector<1x128xi32>
    %sign3A_756 = arith.extui %sign3A_755 : vector<1x128xi1> to vector<1x128xi32>
    %sign3A_757 = arith.subi %sign3A_752, %sign3A_756 : vector<1x128xi32>
    %sign3A_758 = arith.constant 0 : i32
    %sign3A_759 = arith.cmpi sgt, %jit3A, %sign3A_758 : i32
    %sign3A_760 = arith.extui %sign3A_759 : i1 to i32
    %sign3A_761 = arith.constant 0 : i32
    %sign3A_762 = arith.cmpi slt, %jit3A, %sign3A_761 : i32
    %sign3A_763 = arith.extui %sign3A_762 : i1 to i32
    %sign3A_764 = arith.subi %sign3A_760, %sign3A_763 : i32
    %ne3A = vector.broadcast %sign3A_764 : i32 to vector<1x128xi32>
    %ne3A_765 = arith.cmpi ne, %sign3A_757, %ne3A : vector<1x128xi32>
    %rem3A = vector.broadcast %jit3A : i32 to vector<1x128xi32>
    %rem3A_766 = arith.remsi %sub3A_681, %rem3A : vector<1x128xi32>
    %ne3A_767 = arith.constant 0 : i32
    %ne3A_768 = vector.broadcast %ne3A_767 : i32 to vector<1x128xi32>
    %ne3A_769 = arith.cmpi ne, %rem3A_766, %ne3A_768 : vector<1x128xi32>
    %and3A = arith.andi %ne3A_765, %ne3A_769 : vector<1x128xi1>
    %sub3A_770 = arith.constant 1 : i32
    %sub3A_771 = vector.broadcast %sub3A_770 : i32 to vector<1x128xi32>
    %sub3A_772 = arith.subi %div3A_749, %sub3A_771 : vector<1x128xi32>
    %select_n3A = arith.select %and3A, %sub3A_772, %div3A_749 : vector<1x128xi1>, vector<1x128xi32>
    %sub3A_773 = arith.constant 1 : i32
    %sub3A_774 = vector.broadcast %sub3A_773 : i32 to vector<1x128xi32>
    %sub3A_775 = arith.subi %add3A_682, %sub3A_774 : vector<1x128xi32>
    %max3A = arith.constant 0 : i32
    %max3A_776 = vector.broadcast %max3A : i32 to vector<1x128xi32>
    %max3A_777 = arith.maxsi %sub3A_775, %max3A_776 : vector<1x128xi32>
    %jit3A_778 = arith.constant 256 : i32
    %div3A_779 = vector.broadcast %jit3A_778 : i32 to vector<1x128xi32>
    %div3A_780 = arith.divsi %max3A_777, %div3A_779 : vector<1x128xi32>
    %sign3A_781 = arith.constant 0 : i32
    %sign3A_782 = vector.broadcast %sign3A_781 : i32 to vector<1x128xi32>
    %sign3A_783 = arith.cmpi sgt, %max3A_777, %sign3A_782 : vector<1x128xi32>
    %sign3A_784 = arith.extui %sign3A_783 : vector<1x128xi1> to vector<1x128xi32>
    %sign3A_785 = arith.constant 0 : i32
    %sign3A_786 = vector.broadcast %sign3A_785 : i32 to vector<1x128xi32>
    %sign3A_787 = arith.cmpi slt, %max3A_777, %sign3A_786 : vector<1x128xi32>
    %sign3A_788 = arith.extui %sign3A_787 : vector<1x128xi1> to vector<1x128xi32>
    %sign3A_789 = arith.subi %sign3A_784, %sign3A_788 : vector<1x128xi32>
    %sign3A_790 = arith.constant 0 : i32
    %sign3A_791 = arith.cmpi sgt, %jit3A_778, %sign3A_790 : i32
    %sign3A_792 = arith.extui %sign3A_791 : i1 to i32
    %sign3A_793 = arith.constant 0 : i32
    %sign3A_794 = arith.cmpi slt, %jit3A_778, %sign3A_793 : i32
    %sign3A_795 = arith.extui %sign3A_794 : i1 to i32
    %sign3A_796 = arith.subi %sign3A_792, %sign3A_795 : i32
    %ne3A_797 = vector.broadcast %sign3A_796 : i32 to vector<1x128xi32>
    %ne3A_798 = arith.cmpi ne, %sign3A_789, %ne3A_797 : vector<1x128xi32>
    %rem3A_799 = vector.broadcast %jit3A_778 : i32 to vector<1x128xi32>
    %rem3A_800 = arith.remsi %max3A_777, %rem3A_799 : vector<1x128xi32>
    %ne3A_801 = arith.constant 0 : i32
    %ne3A_802 = vector.broadcast %ne3A_801 : i32 to vector<1x128xi32>
    %ne3A_803 = arith.cmpi ne, %rem3A_800, %ne3A_802 : vector<1x128xi32>
    %and3A_804 = arith.andi %ne3A_798, %ne3A_803 : vector<1x128xi1>
    %sub3A_805 = arith.constant 1 : i32
    %sub3A_806 = vector.broadcast %sub3A_805 : i32 to vector<1x128xi32>
    %sub3A_807 = arith.subi %div3A_780, %sub3A_806 : vector<1x128xi32>
    %select_n3A_808 = arith.select %and3A_804, %sub3A_807, %div3A_780 : vector<1x128xi1>, vector<1x128xi32>
    %gt3A = arith.constant 0 : i32
    %gt3A_809 = vector.broadcast %gt3A : i32 to vector<1x128xi32>
    %gt3A_810 = arith.cmpi sgt, %add3A_645, %gt3A_809 : vector<1x128xi32>
    %sub3A_811 = arith.subi %select_n3A_808, %select_n3A : vector<1x128xi32>
    %add3A_812 = arith.constant 1 : i32
    %add3A_813 = vector.broadcast %add3A_812 : i32 to vector<1x128xi32>
    %add3A_814 = arith.addi %sub3A_811, %add3A_813 : vector<1x128xi32>
    %jit3A_815 = arith.constant 0 : i32
    %broadcast_in_dim3A_816 = vector.broadcast %jit3A_815 : i32 to vector<1x128xi32>
    %select_n3A_817 = arith.select %gt3A_810, %add3A_814, %broadcast_in_dim3A_816 : vector<1x128xi1>, vector<1x128xi32>
    %broadcast_in_dim3A_818 = arith.constant 0 : i32
    %broadcast_in_dim3A_819 = vector.broadcast %broadcast_in_dim3A_818 : i32 to vector<1x1xi32>
    %slice3A_820 = vector.extract_strided_slice %select_n3A_817 {offsets = [0, 0], sizes = [1, 127], strides = [1, 1]} : vector<1x128xi32> to vector<1x127xi32>
    %concatenate3A_821 = tpu.concatenate %broadcast_in_dim3A_819, %slice3A_820 in 1 : vector<1x1xi32>, vector<1x127xi32> -> vector<1x128xi32>
    %add3A_822 = arith.addi %select_n3A_817, %concatenate3A_821 : vector<1x128xi32>
    %broadcast_in_dim3A_823 = arith.constant 0 : i32
    %broadcast_in_dim3A_824 = vector.broadcast %broadcast_in_dim3A_823 : i32 to vector<1x2xi32>
    %slice3A_825 = vector.extract_strided_slice %add3A_822 {offsets = [0, 0], sizes = [1, 126], strides = [1, 1]} : vector<1x128xi32> to vector<1x126xi32>
    %concatenate3A_826 = tpu.concatenate %broadcast_in_dim3A_824, %slice3A_825 in 1 : vector<1x2xi32>, vector<1x126xi32> -> vector<1x128xi32>
    %add3A_827 = arith.addi %add3A_822, %concatenate3A_826 : vector<1x128xi32>
    %broadcast_in_dim3A_828 = arith.constant 0 : i32
    %broadcast_in_dim3A_829 = vector.broadcast %broadcast_in_dim3A_828 : i32 to vector<1x4xi32>
    %slice3A_830 = vector.extract_strided_slice %add3A_827 {offsets = [0, 0], sizes = [1, 124], strides = [1, 1]} : vector<1x128xi32> to vector<1x124xi32>
    %concatenate3A_831 = tpu.concatenate %broadcast_in_dim3A_829, %slice3A_830 in 1 : vector<1x4xi32>, vector<1x124xi32> -> vector<1x128xi32>
    %add3A_832 = arith.addi %add3A_827, %concatenate3A_831 : vector<1x128xi32>
    %broadcast_in_dim3A_833 = arith.constant 0 : i32
    %broadcast_in_dim3A_834 = vector.broadcast %broadcast_in_dim3A_833 : i32 to vector<1x8xi32>
    %slice3A_835 = vector.extract_strided_slice %add3A_832 {offsets = [0, 0], sizes = [1, 120], strides = [1, 1]} : vector<1x128xi32> to vector<1x120xi32>
    %concatenate3A_836 = tpu.concatenate %broadcast_in_dim3A_834, %slice3A_835 in 1 : vector<1x8xi32>, vector<1x120xi32> -> vector<1x128xi32>
    %add3A_837 = arith.addi %add3A_832, %concatenate3A_836 : vector<1x128xi32>
    %broadcast_in_dim3A_838 = arith.constant 0 : i32
    %broadcast_in_dim3A_839 = vector.broadcast %broadcast_in_dim3A_838 : i32 to vector<1x16xi32>
    %slice3A_840 = vector.extract_strided_slice %add3A_837 {offsets = [0, 0], sizes = [1, 112], strides = [1, 1]} : vector<1x128xi32> to vector<1x112xi32>
    %concatenate3A_841 = tpu.concatenate %broadcast_in_dim3A_839, %slice3A_840 in 1 : vector<1x16xi32>, vector<1x112xi32> -> vector<1x128xi32>
    %add3A_842 = arith.addi %add3A_837, %concatenate3A_841 : vector<1x128xi32>
    %broadcast_in_dim3A_843 = arith.constant 0 : i32
    %broadcast_in_dim3A_844 = vector.broadcast %broadcast_in_dim3A_843 : i32 to vector<1x32xi32>
    %slice3A_845 = vector.extract_strided_slice %add3A_842 {offsets = [0, 0], sizes = [1, 96], strides = [1, 1]} : vector<1x128xi32> to vector<1x96xi32>
    %concatenate3A_846 = tpu.concatenate %broadcast_in_dim3A_844, %slice3A_845 in 1 : vector<1x32xi32>, vector<1x96xi32> -> vector<1x128xi32>
    %add3A_847 = arith.addi %add3A_842, %concatenate3A_846 : vector<1x128xi32>
    %broadcast_in_dim3A_848 = arith.constant 0 : i32
    %broadcast_in_dim3A_849 = vector.broadcast %broadcast_in_dim3A_848 : i32 to vector<1x64xi32>
    %slice3A_850 = vector.extract_strided_slice %add3A_847 {offsets = [0, 0], sizes = [1, 64], strides = [1, 1]} : vector<1x128xi32> to vector<1x64xi32>
    %concatenate3A_851 = tpu.concatenate %broadcast_in_dim3A_849, %slice3A_850 in 1 : vector<1x64xi32>, vector<1x64xi32> -> vector<1x128xi32>
    %add3A_852 = arith.addi %add3A_847, %concatenate3A_851 : vector<1x128xi32>
    %slice3A_853 = vector.extract_strided_slice %add3A_852 {offsets = [0, 7], sizes = [1, 1], strides = [1, 1]} : vector<1x128xi32> to vector<1x1xi32>
    %sub3A_854 = arith.constant 1 : i32
    %sub3A_855 = vector.broadcast %sub3A_854 : i32 to vector<1x1xi32>
    %sub3A_856 = arith.subi %slice3A_853, %sub3A_855 : vector<1x1xi32>
    %min3A = vector.broadcast %sub3A_856 : vector<1x1xi32> to vector<1x128xi32>
    %min3A_857 = arith.minsi %iota3A, %min3A : vector<1x128xi32>
    %broadcast_in_dim3A_858 = arith.constant 0 : i32
    %broadcast_in_dim3A_859 = vector.broadcast %broadcast_in_dim3A_858 : i32 to vector<1x128xi32>
    %slice3A_860 = vector.extract_strided_slice %add3A_852 {offsets = [0, 0], sizes = [1, 1], strides = [1, 1]} : vector<1x128xi32> to vector<1x1xi32>
    %le3A = vector.broadcast %slice3A_860 : vector<1x1xi32> to vector<1x128xi32>
    %le3A_861 = arith.cmpi sle, %le3A, %min3A_857 : vector<1x128xi32>
    %convert_element_type3A_862 = arith.extui %le3A_861 : vector<1x128xi1> to vector<1x128xi32>
    %add3A_863 = arith.addi %broadcast_in_dim3A_859, %convert_element_type3A_862 : vector<1x128xi32>
    %slice3A_864 = vector.extract_strided_slice %add3A_852 {offsets = [0, 1], sizes = [1, 1], strides = [1, 1]} : vector<1x128xi32> to vector<1x1xi32>
    %le3A_865 = vector.broadcast %slice3A_864 : vector<1x1xi32> to vector<1x128xi32>
    %le3A_866 = arith.cmpi sle, %le3A_865, %min3A_857 : vector<1x128xi32>
    %convert_element_type3A_867 = arith.extui %le3A_866 : vector<1x128xi1> to vector<1x128xi32>
    %add3A_868 = arith.addi %add3A_863, %convert_element_type3A_867 : vector<1x128xi32>
    %slice3A_869 = vector.extract_strided_slice %add3A_852 {offsets = [0, 2], sizes = [1, 1], strides = [1, 1]} : vector<1x128xi32> to vector<1x1xi32>
    %le3A_870 = vector.broadcast %slice3A_869 : vector<1x1xi32> to vector<1x128xi32>
    %le3A_871 = arith.cmpi sle, %le3A_870, %min3A_857 : vector<1x128xi32>
    %convert_element_type3A_872 = arith.extui %le3A_871 : vector<1x128xi1> to vector<1x128xi32>
    %add3A_873 = arith.addi %add3A_868, %convert_element_type3A_872 : vector<1x128xi32>
    %slice3A_874 = vector.extract_strided_slice %add3A_852 {offsets = [0, 3], sizes = [1, 1], strides = [1, 1]} : vector<1x128xi32> to vector<1x1xi32>
    %le3A_875 = vector.broadcast %slice3A_874 : vector<1x1xi32> to vector<1x128xi32>
    %le3A_876 = arith.cmpi sle, %le3A_875, %min3A_857 : vector<1x128xi32>
    %convert_element_type3A_877 = arith.extui %le3A_876 : vector<1x128xi1> to vector<1x128xi32>
    %add3A_878 = arith.addi %add3A_873, %convert_element_type3A_877 : vector<1x128xi32>
    %slice3A_879 = vector.extract_strided_slice %add3A_852 {offsets = [0, 4], sizes = [1, 1], strides = [1, 1]} : vector<1x128xi32> to vector<1x1xi32>
    %le3A_880 = vector.broadcast %slice3A_879 : vector<1x1xi32> to vector<1x128xi32>
    %le3A_881 = arith.cmpi sle, %le3A_880, %min3A_857 : vector<1x128xi32>
    %convert_element_type3A_882 = arith.extui %le3A_881 : vector<1x128xi1> to vector<1x128xi32>
    %add3A_883 = arith.addi %add3A_878, %convert_element_type3A_882 : vector<1x128xi32>
    %slice3A_884 = vector.extract_strided_slice %add3A_852 {offsets = [0, 5], sizes = [1, 1], strides = [1, 1]} : vector<1x128xi32> to vector<1x1xi32>
    %le3A_885 = vector.broadcast %slice3A_884 : vector<1x1xi32> to vector<1x128xi32>
    %le3A_886 = arith.cmpi sle, %le3A_885, %min3A_857 : vector<1x128xi32>
    %convert_element_type3A_887 = arith.extui %le3A_886 : vector<1x128xi1> to vector<1x128xi32>
    %add3A_888 = arith.addi %add3A_883, %convert_element_type3A_887 : vector<1x128xi32>
    %slice3A_889 = vector.extract_strided_slice %add3A_852 {offsets = [0, 6], sizes = [1, 1], strides = [1, 1]} : vector<1x128xi32> to vector<1x1xi32>
    %le3A_890 = vector.broadcast %slice3A_889 : vector<1x1xi32> to vector<1x128xi32>
    %le3A_891 = arith.cmpi sle, %le3A_890, %min3A_857 : vector<1x128xi32>
    %convert_element_type3A_892 = arith.extui %le3A_891 : vector<1x128xi1> to vector<1x128xi32>
    %add3A_893 = arith.addi %add3A_888, %convert_element_type3A_892 : vector<1x128xi32>
    %broadcast_in_dim3A_894 = arith.constant 0 : i32
    %broadcast_in_dim3A_895 = vector.broadcast %broadcast_in_dim3A_894 : i32 to vector<1x128xi32>
    %slice3A_896 = vector.extract_strided_slice %select_n3A {offsets = [0, 0], sizes = [1, 1], strides = [1, 1]} : vector<1x128xi32> to vector<1x1xi32>
    %add3A_897 = vector.broadcast %slice3A_896 : vector<1x1xi32> to vector<1x128xi32>
    %add3A_898 = arith.addi %add3A_897, %min3A_857 : vector<1x128xi32>
    %slice3A_899 = vector.extract_strided_slice %add3A_852 {offsets = [0, 0], sizes = [1, 1], strides = [1, 1]} : vector<1x128xi32> to vector<1x1xi32>
    %slice3A_900 = vector.extract_strided_slice %select_n3A_817 {offsets = [0, 0], sizes = [1, 1], strides = [1, 1]} : vector<1x128xi32> to vector<1x1xi32>
    %sub3A_901 = arith.subi %slice3A_899, %slice3A_900 : vector<1x1xi32>
    %sub3A_902 = vector.broadcast %sub3A_901 : vector<1x1xi32> to vector<1x128xi32>
    %sub3A_903 = arith.subi %add3A_898, %sub3A_902 : vector<1x128xi32>
    %eq3A_904 = arith.constant 0 : i32
    %eq3A_905 = vector.broadcast %eq3A_904 : i32 to vector<1x128xi32>
    %eq3A_906 = arith.cmpi eq, %add3A_893, %eq3A_905 : vector<1x128xi32>
    %convert_element_type3A_907 = arith.extui %eq3A_906 : vector<1x128xi1> to vector<1x128xi32>
    %mul3A_908 = arith.muli %convert_element_type3A_907, %sub3A_903 : vector<1x128xi32>
    %add3A_909 = arith.addi %broadcast_in_dim3A_895, %mul3A_908 : vector<1x128xi32>
    %slice3A_910 = vector.extract_strided_slice %select_n3A {offsets = [0, 1], sizes = [1, 1], strides = [1, 1]} : vector<1x128xi32> to vector<1x1xi32>
    %add3A_911 = vector.broadcast %slice3A_910 : vector<1x1xi32> to vector<1x128xi32>
    %add3A_912 = arith.addi %add3A_911, %min3A_857 : vector<1x128xi32>
    %slice3A_913 = vector.extract_strided_slice %add3A_852 {offsets = [0, 1], sizes = [1, 1], strides = [1, 1]} : vector<1x128xi32> to vector<1x1xi32>
    %slice3A_914 = vector.extract_strided_slice %select_n3A_817 {offsets = [0, 1], sizes = [1, 1], strides = [1, 1]} : vector<1x128xi32> to vector<1x1xi32>
    %sub3A_915 = arith.subi %slice3A_913, %slice3A_914 : vector<1x1xi32>
    %sub3A_916 = vector.broadcast %sub3A_915 : vector<1x1xi32> to vector<1x128xi32>
    %sub3A_917 = arith.subi %add3A_912, %sub3A_916 : vector<1x128xi32>
    %eq3A_918 = arith.constant 1 : i32
    %eq3A_919 = vector.broadcast %eq3A_918 : i32 to vector<1x128xi32>
    %eq3A_920 = arith.cmpi eq, %add3A_893, %eq3A_919 : vector<1x128xi32>
    %convert_element_type3A_921 = arith.extui %eq3A_920 : vector<1x128xi1> to vector<1x128xi32>
    %mul3A_922 = arith.muli %convert_element_type3A_921, %sub3A_917 : vector<1x128xi32>
    %add3A_923 = arith.addi %add3A_909, %mul3A_922 : vector<1x128xi32>
    %slice3A_924 = vector.extract_strided_slice %select_n3A {offsets = [0, 2], sizes = [1, 1], strides = [1, 1]} : vector<1x128xi32> to vector<1x1xi32>
    %add3A_925 = vector.broadcast %slice3A_924 : vector<1x1xi32> to vector<1x128xi32>
    %add3A_926 = arith.addi %add3A_925, %min3A_857 : vector<1x128xi32>
    %slice3A_927 = vector.extract_strided_slice %add3A_852 {offsets = [0, 2], sizes = [1, 1], strides = [1, 1]} : vector<1x128xi32> to vector<1x1xi32>
    %slice3A_928 = vector.extract_strided_slice %select_n3A_817 {offsets = [0, 2], sizes = [1, 1], strides = [1, 1]} : vector<1x128xi32> to vector<1x1xi32>
    %sub3A_929 = arith.subi %slice3A_927, %slice3A_928 : vector<1x1xi32>
    %sub3A_930 = vector.broadcast %sub3A_929 : vector<1x1xi32> to vector<1x128xi32>
    %sub3A_931 = arith.subi %add3A_926, %sub3A_930 : vector<1x128xi32>
    %eq3A_932 = arith.constant 2 : i32
    %eq3A_933 = vector.broadcast %eq3A_932 : i32 to vector<1x128xi32>
    %eq3A_934 = arith.cmpi eq, %add3A_893, %eq3A_933 : vector<1x128xi32>
    %convert_element_type3A_935 = arith.extui %eq3A_934 : vector<1x128xi1> to vector<1x128xi32>
    %mul3A_936 = arith.muli %convert_element_type3A_935, %sub3A_931 : vector<1x128xi32>
    %add3A_937 = arith.addi %add3A_923, %mul3A_936 : vector<1x128xi32>
    %slice3A_938 = vector.extract_strided_slice %select_n3A {offsets = [0, 3], sizes = [1, 1], strides = [1, 1]} : vector<1x128xi32> to vector<1x1xi32>
    %add3A_939 = vector.broadcast %slice3A_938 : vector<1x1xi32> to vector<1x128xi32>
    %add3A_940 = arith.addi %add3A_939, %min3A_857 : vector<1x128xi32>
    %slice3A_941 = vector.extract_strided_slice %add3A_852 {offsets = [0, 3], sizes = [1, 1], strides = [1, 1]} : vector<1x128xi32> to vector<1x1xi32>
    %slice3A_942 = vector.extract_strided_slice %select_n3A_817 {offsets = [0, 3], sizes = [1, 1], strides = [1, 1]} : vector<1x128xi32> to vector<1x1xi32>
    %sub3A_943 = arith.subi %slice3A_941, %slice3A_942 : vector<1x1xi32>
    %sub3A_944 = vector.broadcast %sub3A_943 : vector<1x1xi32> to vector<1x128xi32>
    %sub3A_945 = arith.subi %add3A_940, %sub3A_944 : vector<1x128xi32>
    %eq3A_946 = arith.constant 3 : i32
    %eq3A_947 = vector.broadcast %eq3A_946 : i32 to vector<1x128xi32>
    %eq3A_948 = arith.cmpi eq, %add3A_893, %eq3A_947 : vector<1x128xi32>
    %convert_element_type3A_949 = arith.extui %eq3A_948 : vector<1x128xi1> to vector<1x128xi32>
    %mul3A_950 = arith.muli %convert_element_type3A_949, %sub3A_945 : vector<1x128xi32>
    %add3A_951 = arith.addi %add3A_937, %mul3A_950 : vector<1x128xi32>
    %slice3A_952 = vector.extract_strided_slice %select_n3A {offsets = [0, 4], sizes = [1, 1], strides = [1, 1]} : vector<1x128xi32> to vector<1x1xi32>
    %add3A_953 = vector.broadcast %slice3A_952 : vector<1x1xi32> to vector<1x128xi32>
    %add3A_954 = arith.addi %add3A_953, %min3A_857 : vector<1x128xi32>
    %slice3A_955 = vector.extract_strided_slice %add3A_852 {offsets = [0, 4], sizes = [1, 1], strides = [1, 1]} : vector<1x128xi32> to vector<1x1xi32>
    %slice3A_956 = vector.extract_strided_slice %select_n3A_817 {offsets = [0, 4], sizes = [1, 1], strides = [1, 1]} : vector<1x128xi32> to vector<1x1xi32>
    %sub3A_957 = arith.subi %slice3A_955, %slice3A_956 : vector<1x1xi32>
    %sub3A_958 = vector.broadcast %sub3A_957 : vector<1x1xi32> to vector<1x128xi32>
    %sub3A_959 = arith.subi %add3A_954, %sub3A_958 : vector<1x128xi32>
    %eq3A_960 = arith.constant 4 : i32
    %eq3A_961 = vector.broadcast %eq3A_960 : i32 to vector<1x128xi32>
    %eq3A_962 = arith.cmpi eq, %add3A_893, %eq3A_961 : vector<1x128xi32>
    %convert_element_type3A_963 = arith.extui %eq3A_962 : vector<1x128xi1> to vector<1x128xi32>
    %mul3A_964 = arith.muli %convert_element_type3A_963, %sub3A_959 : vector<1x128xi32>
    %add3A_965 = arith.addi %add3A_951, %mul3A_964 : vector<1x128xi32>
    %slice3A_966 = vector.extract_strided_slice %select_n3A {offsets = [0, 5], sizes = [1, 1], strides = [1, 1]} : vector<1x128xi32> to vector<1x1xi32>
    %add3A_967 = vector.broadcast %slice3A_966 : vector<1x1xi32> to vector<1x128xi32>
    %add3A_968 = arith.addi %add3A_967, %min3A_857 : vector<1x128xi32>
    %slice3A_969 = vector.extract_strided_slice %add3A_852 {offsets = [0, 5], sizes = [1, 1], strides = [1, 1]} : vector<1x128xi32> to vector<1x1xi32>
    %slice3A_970 = vector.extract_strided_slice %select_n3A_817 {offsets = [0, 5], sizes = [1, 1], strides = [1, 1]} : vector<1x128xi32> to vector<1x1xi32>
    %sub3A_971 = arith.subi %slice3A_969, %slice3A_970 : vector<1x1xi32>
    %sub3A_972 = vector.broadcast %sub3A_971 : vector<1x1xi32> to vector<1x128xi32>
    %sub3A_973 = arith.subi %add3A_968, %sub3A_972 : vector<1x128xi32>
    %eq3A_974 = arith.constant 5 : i32
    %eq3A_975 = vector.broadcast %eq3A_974 : i32 to vector<1x128xi32>
    %eq3A_976 = arith.cmpi eq, %add3A_893, %eq3A_975 : vector<1x128xi32>
    %convert_element_type3A_977 = arith.extui %eq3A_976 : vector<1x128xi1> to vector<1x128xi32>
    %mul3A_978 = arith.muli %convert_element_type3A_977, %sub3A_973 : vector<1x128xi32>
    %add3A_979 = arith.addi %add3A_965, %mul3A_978 : vector<1x128xi32>
    %slice3A_980 = vector.extract_strided_slice %select_n3A {offsets = [0, 6], sizes = [1, 1], strides = [1, 1]} : vector<1x128xi32> to vector<1x1xi32>
    %add3A_981 = vector.broadcast %slice3A_980 : vector<1x1xi32> to vector<1x128xi32>
    %add3A_982 = arith.addi %add3A_981, %min3A_857 : vector<1x128xi32>
    %slice3A_983 = vector.extract_strided_slice %add3A_852 {offsets = [0, 6], sizes = [1, 1], strides = [1, 1]} : vector<1x128xi32> to vector<1x1xi32>
    %slice3A_984 = vector.extract_strided_slice %select_n3A_817 {offsets = [0, 6], sizes = [1, 1], strides = [1, 1]} : vector<1x128xi32> to vector<1x1xi32>
    %sub3A_985 = arith.subi %slice3A_983, %slice3A_984 : vector<1x1xi32>
    %sub3A_986 = vector.broadcast %sub3A_985 : vector<1x1xi32> to vector<1x128xi32>
    %sub3A_987 = arith.subi %add3A_982, %sub3A_986 : vector<1x128xi32>
    %eq3A_988 = arith.constant 6 : i32
    %eq3A_989 = vector.broadcast %eq3A_988 : i32 to vector<1x128xi32>
    %eq3A_990 = arith.cmpi eq, %add3A_893, %eq3A_989 : vector<1x128xi32>
    %convert_element_type3A_991 = arith.extui %eq3A_990 : vector<1x128xi1> to vector<1x128xi32>
    %mul3A_992 = arith.muli %convert_element_type3A_991, %sub3A_987 : vector<1x128xi32>
    %add3A_993 = arith.addi %add3A_979, %mul3A_992 : vector<1x128xi32>
    %slice3A_994 = vector.extract_strided_slice %select_n3A {offsets = [0, 7], sizes = [1, 1], strides = [1, 1]} : vector<1x128xi32> to vector<1x1xi32>
    %add3A_995 = vector.broadcast %slice3A_994 : vector<1x1xi32> to vector<1x128xi32>
    %add3A_996 = arith.addi %add3A_995, %min3A_857 : vector<1x128xi32>
    %slice3A_997 = vector.extract_strided_slice %add3A_852 {offsets = [0, 7], sizes = [1, 1], strides = [1, 1]} : vector<1x128xi32> to vector<1x1xi32>
    %slice3A_998 = vector.extract_strided_slice %select_n3A_817 {offsets = [0, 7], sizes = [1, 1], strides = [1, 1]} : vector<1x128xi32> to vector<1x1xi32>
    %sub3A_999 = arith.subi %slice3A_997, %slice3A_998 : vector<1x1xi32>
    %sub3A_1000 = vector.broadcast %sub3A_999 : vector<1x1xi32> to vector<1x128xi32>
    %sub3A_1001 = arith.subi %add3A_996, %sub3A_1000 : vector<1x128xi32>
    %eq3A_1002 = arith.constant 7 : i32
    %eq3A_1003 = vector.broadcast %eq3A_1002 : i32 to vector<1x128xi32>
    %eq3A_1004 = arith.cmpi eq, %add3A_893, %eq3A_1003 : vector<1x128xi32>
    %convert_element_type3A_1005 = arith.extui %eq3A_1004 : vector<1x128xi1> to vector<1x128xi32>
    %mul3A_1006 = arith.muli %convert_element_type3A_1005, %sub3A_1001 : vector<1x128xi32>
    %add3A_1007 = arith.addi %add3A_993, %mul3A_1006 : vector<1x128xi32>
    %broadcast_in_dim3A_1008 = arith.constant 0 : i32
    %broadcast_in_dim3A_1009 = vector.broadcast %broadcast_in_dim3A_1008 : i32 to vector<4x128xi32>
    %concatenate3A_1010 = tpu.concatenate %sub3A_681, %add3A_682, %add3A_893, %add3A_1007, %broadcast_in_dim3A_1009 in 0 : vector<1x128xi32>, vector<1x128xi32>, vector<1x128xi32>, vector<1x128xi32>, vector<4x128xi32> -> vector<8x128xi32>
    %swap3A_1011 = arith.constant 0 : index
    %swap3A_1012 = arith.constant 0 : index
    %swap3A_1013 = vector.load %arg2[%swap3A_1011, %swap3A_1012] : memref<8x128xi32, #tpu.memory_space<vmem>>, vector<8x128xi32>
    tpu.vector_store %arg2[%swap3A_1011, %swap3A_1012], %concatenate3A_1010 {strides = array<i32>} : memref<8x128xi32, #tpu.memory_space<vmem>>, vector<8x128xi32>,
    return
  }
}

module attributes {stable_mosaic.version = 14 : i64} {
  func.func @_bias_body(%arg0: i32, %arg1: memref<1x1x512xf32, #tpu.memory_space<vmem>>, %arg2: memref<1x512x1024xf32, #tpu.memory_space<vmem>>, %arg3: memref<1x1x1024xf32, #tpu.memory_space<vmem>>, %arg4: memref<1x1x1024xf32, #tpu.memory_space<vmem>>) attributes {dimension_semantics = [#tpu.dimension_semantics<arbitrary>], iteration_bounds = array<i64: 8>, scalar_prefetch = 0 : i64, scratch_operands = 0 : i64, tpu.core_type = #tpu.core_type<tc>, window_params = [{transform_indices = @transform_0, window_bounds = array<i64: 1, 1, 512>}, {transform_indices = @transform_1, window_bounds = array<i64: 1, 512, 1024>}, {transform_indices = @transform_2, window_bounds = array<i64: 1, 1, 1024>}, {transform_indices = @transform_3, window_bounds = array<i64: 1, 1, 1024>}]} {
    %get3A = arith.constant 0 : index
    %get3A_0 = arith.constant 0 : index
    %get3A_1 = arith.constant 0 : index
    %get3A_2 = vector.load %arg3[%get3A, %get3A_0, %get3A_1] : memref<1x1x1024xf32, #tpu.memory_space<vmem>>, vector<1x1x1024xf32>
    %get3A_3 = vector.shape_cast %get3A_2 : vector<1x1x1024xf32> to vector<1x1024xf32>
    %get3A_4 = arith.constant 0 : index
    %get3A_5 = arith.constant 0 : index
    %get3A_6 = arith.constant 0 : index
    %get3A_7 = vector.load %arg1[%get3A_4, %get3A_5, %get3A_6] : memref<1x1x512xf32, #tpu.memory_space<vmem>>, vector<1x1x512xf32>
    %get3A_8 = vector.shape_cast %get3A_7 : vector<1x1x512xf32> to vector<1x512xf32>
    %get3A_9 = arith.constant 0 : index
    %get3A_10 = arith.constant 0 : index
    %get3A_11 = arith.constant 0 : index
    %get3A_12 = vector.load %arg2[%get3A_9, %get3A_10, %get3A_11] : memref<1x512x1024xf32, #tpu.memory_space<vmem>>, vector<1x512x1024xf32>
    %get3A_13 = vector.shape_cast %get3A_12 : vector<1x512x1024xf32> to vector<512x1024xf32>
    %dot_general3A = arith.constant dense<0.000000e+00> : vector<1x1024xf32>
    %dot_general3A_14 = tpu.matmul %get3A_8, %get3A_13, %dot_general3A {dimension_numbers = #tpu.dot_dimension_numbers<[1], [0], [0], [1], [0, 0, 1, 1], [], []>, transpose_lhs_hint = false} : vector<1x512xf32>, vector<512x1024xf32>, vector<1x1024xf32> -> vector<1x1024xf32>
    %add3A = arith.addf %get3A_3, %dot_general3A_14 : vector<1x1024xf32>
    %swap3A = arith.constant 0 : index
    %swap3A_15 = arith.constant 0 : index
    %swap3A_16 = arith.constant 0 : index
    %swap3A_17 = vector.load %arg4[%swap3A, %swap3A_15, %swap3A_16] : memref<1x1x1024xf32, #tpu.memory_space<vmem>>, vector<1x1x1024xf32>
    %swap3A_18 = vector.shape_cast %swap3A_17 : vector<1x1x1024xf32> to vector<1x1024xf32>
    %swap3A_19 = vector.shape_cast %add3A : vector<1x1024xf32> to vector<1x1x1024xf32>
    tpu.vector_store %arg4[%swap3A, %swap3A_15, %swap3A_16], %swap3A_19 {strides = array<i32>} : memref<1x1x1024xf32, #tpu.memory_space<vmem>>, vector<1x1x1024xf32>,
    return
  }
  func.func @transform_0(%arg0: i32) -> (i32, i32, i32) {
    %c0_i32 = arith.constant 0 : i32
    %c0_i32_0 = arith.constant 0 : i32
    %c0_i32_1 = arith.constant 0 : i32
    return %arg0, %c0_i32, %c0_i32_0 : i32, i32, i32
  }
  func.func @transform_1(%arg0: i32) -> (i32, i32, i32) {
    %c2_i32 = arith.constant 2 : i32
    %c0_i32 = arith.constant 0 : i32
    %c0_i32_0 = arith.constant 0 : i32
    return %arg0, %c2_i32, %c0_i32 : i32, i32, i32
  }
  func.func @transform_2(%arg0: i32) -> (i32, i32, i32) {
    %c0_i32 = arith.constant 0 : i32
    %c0_i32_0 = arith.constant 0 : i32
    %c0_i32_1 = arith.constant 0 : i32
    return %arg0, %c0_i32, %c0_i32_0 : i32, i32, i32
  }
  func.func @transform_3(%arg0: i32) -> (i32, i32, i32) {
    %c0_i32 = arith.constant 0 : i32
    %c0_i32_0 = arith.constant 0 : i32
    %c0_i32_1 = arith.constant 0 : i32
    return %arg0, %c0_i32, %c0_i32_0 : i32, i32, i32
  }
}

module attributes {stable_mosaic.version = 14 : i64} {
  func.func @_mlp_body(%arg0: i32, %arg1: memref<8x128xi32, #tpu.memory_space<smem>>, %arg2: memref<256x1024xf32, #tpu.memory_space<vmem>>, %arg3: memref<1x1024x1024xf32, #tpu.memory_space<vmem>>, %arg4: memref<1x1x1024xf32, #tpu.memory_space<vmem>>, %arg5: memref<1x1024x1024xf32, #tpu.memory_space<vmem>>, %arg6: memref<1x1x1024xf32, #tpu.memory_space<vmem>>, %arg7: memref<256x1024xf32, #tpu.memory_space<vmem>>) attributes {dimension_semantics = [#tpu.dimension_semantics<arbitrary>], iteration_bounds = array<i64: 23>, scalar_prefetch = 1 : i64, scratch_operands = 0 : i64, tpu.core_type = #tpu.core_type<tc>, window_params = [{transform_indices = @transform_0, window_bounds = array<i64: 256, 1024>}, {transform_indices = @transform_1, window_bounds = array<i64: 1, 1024, 1024>}, {transform_indices = @transform_2, window_bounds = array<i64: 1, 1, 1024>}, {transform_indices = @transform_3, window_bounds = array<i64: 1, 1024, 1024>}, {transform_indices = @transform_4, window_bounds = array<i64: 1, 1, 1024>}, {transform_indices = @transform_5, window_bounds = array<i64: 256, 1024>}]} {
    %get3A = arith.constant 2 : index
    %get3A_0 = arith.index_cast %arg0 : i32 to index
    %get3A_1 = memref.load %arg1[%get3A, %get3A_0] : memref<8x128xi32, #tpu.memory_space<smem>>
    %get3A_2 = arith.constant 3 : index
    %get3A_3 = arith.index_cast %arg0 : i32 to index
    %get3A_4 = memref.load %arg1[%get3A_2, %get3A_3] : memref<8x128xi32, #tpu.memory_space<smem>>
    %get3A_5 = arith.constant 0 : index
    %get3A_6 = arith.constant 0 : index
    %get3A_7 = vector.load %arg2[%get3A_5, %get3A_6] : memref<256x1024xf32, #tpu.memory_space<vmem>>, vector<256x1024xf32>
    %get3A_8 = arith.constant 0 : index
    %get3A_9 = arith.constant 0 : index
    %get3A_10 = arith.constant 0 : index
    %get3A_11 = vector.load %arg3[%get3A_8, %get3A_9, %get3A_10] : memref<1x1024x1024xf32, #tpu.memory_space<vmem>>, vector<1x1024x1024xf32>
    %get3A_12 = vector.shape_cast %get3A_11 : vector<1x1024x1024xf32> to vector<1024x1024xf32>
    %dot_general3A = arith.constant dense<0.000000e+00> : vector<256x1024xf32>
    %dot_general3A_13 = tpu.matmul %get3A_7, %get3A_12, %dot_general3A {dimension_numbers = #tpu.dot_dimension_numbers<[1], [0], [0], [1], [0, 0, 1, 1], [], []>, transpose_lhs_hint = false} : vector<256x1024xf32>, vector<1024x1024xf32>, vector<256x1024xf32> -> vector<256x1024xf32>
    %get3A_14 = arith.constant 0 : index
    %get3A_15 = arith.constant 0 : index
    %get3A_16 = arith.constant 0 : index
    %get3A_17 = vector.load %arg4[%get3A_14, %get3A_15, %get3A_16] : memref<1x1x1024xf32, #tpu.memory_space<vmem>>, vector<1x1x1024xf32>
    %get3A_18 = vector.shape_cast %get3A_17 : vector<1x1x1024xf32> to vector<1x1024xf32>
    %add3A = vector.broadcast %get3A_18 : vector<1x1024xf32> to vector<256x1024xf32>
    %add3A_19 = arith.addf %dot_general3A_13, %add3A : vector<256x1024xf32>
    %max3A = arith.constant 0.000000e+00 : f32
    %max3A_20 = vector.broadcast %max3A : f32 to vector<256x1024xf32>
    %max3A_21 = arith.maximumf %add3A_19, %max3A_20 : vector<256x1024xf32>
    %get3A_22 = arith.constant 0 : index
    %get3A_23 = arith.constant 0 : index
    %get3A_24 = arith.constant 0 : index
    %get3A_25 = vector.load %arg5[%get3A_22, %get3A_23, %get3A_24] : memref<1x1024x1024xf32, #tpu.memory_space<vmem>>, vector<1x1024x1024xf32>
    %get3A_26 = vector.shape_cast %get3A_25 : vector<1x1024x1024xf32> to vector<1024x1024xf32>
    %dot_general3A_27 = arith.constant dense<0.000000e+00> : vector<256x1024xf32>
    %dot_general3A_28 = tpu.matmul %max3A_21, %get3A_26, %dot_general3A_27 {dimension_numbers = #tpu.dot_dimension_numbers<[1], [0], [0], [1], [0, 0, 1, 1], [], []>, transpose_lhs_hint = false} : vector<256x1024xf32>, vector<1024x1024xf32>, vector<256x1024xf32> -> vector<256x1024xf32>
    %get3A_29 = arith.constant 0 : index
    %get3A_30 = arith.constant 0 : index
    %get3A_31 = arith.constant 0 : index
    %get3A_32 = vector.load %arg6[%get3A_29, %get3A_30, %get3A_31] : memref<1x1x1024xf32, #tpu.memory_space<vmem>>, vector<1x1x1024xf32>
    %get3A_33 = vector.shape_cast %get3A_32 : vector<1x1x1024xf32> to vector<1x1024xf32>
    %add3A_34 = vector.broadcast %get3A_33 : vector<1x1024xf32> to vector<256x1024xf32>
    %add3A_35 = arith.addf %dot_general3A_28, %add3A_34 : vector<256x1024xf32>
    %max3A_36 = arith.constant 0.000000e+00 : f32
    %max3A_37 = vector.broadcast %max3A_36 : f32 to vector<256x1024xf32>
    %max3A_38 = arith.maximumf %add3A_35, %max3A_37 : vector<256x1024xf32>
    %mul3A = arith.constant 256 : i32
    %mul3A_39 = arith.muli %get3A_4, %mul3A : i32
    %iota3A = tpu.iota {dimensions = array<i32: 0>} : vector<256x1xi32>
    %add3A_40 = vector.broadcast %mul3A_39 : i32 to vector<256x1xi32>
    %add3A_41 = arith.addi %add3A_40, %iota3A : vector<256x1xi32>
    %get3A_42 = arith.constant 0 : index
    %get3A_43 = arith.index_cast %get3A_1 : i32 to index
    %get3A_44 = memref.load %arg1[%get3A_42, %get3A_43] : memref<8x128xi32, #tpu.memory_space<smem>>
    %ge3A = vector.broadcast %get3A_44 : i32 to vector<256x1xi32>
    %ge3A_45 = arith.cmpi sge, %add3A_41, %ge3A : vector<256x1xi32>
    %get3A_46 = arith.constant 1 : index
    %get3A_47 = arith.index_cast %get3A_1 : i32 to index
    %get3A_48 = memref.load %arg1[%get3A_46, %get3A_47] : memref<8x128xi32, #tpu.memory_space<smem>>
    %lt3A = vector.broadcast %get3A_48 : i32 to vector<256x1xi32>
    %lt3A_49 = arith.cmpi slt, %add3A_41, %lt3A : vector<256x1xi32>
    %and3A = arith.andi %ge3A_45, %lt3A_49 : vector<256x1xi1>
    %get3A_50 = arith.constant 0 : index
    %get3A_51 = arith.constant 0 : index
    %get3A_52 = vector.load %arg7[%get3A_50, %get3A_51] : memref<256x1024xf32, #tpu.memory_space<vmem>>, vector<256x1024xf32>
    %broadcast_in_dim3A = vector.shape_cast %and3A : vector<256x1xi1> to vector<256x1xi1>
    %broadcast_in_dim3A_53 = vector.broadcast %broadcast_in_dim3A : vector<256x1xi1> to vector<256x1024xi1>
    %select_n3A = arith.select %broadcast_in_dim3A_53, %max3A_38, %get3A_52 : vector<256x1024xi1>, vector<256x1024xf32>
    %swap3A = arith.constant 0 : index
    %swap3A_54 = arith.constant 0 : index
    %swap3A_55 = vector.load %arg7[%swap3A, %swap3A_54] : memref<256x1024xf32, #tpu.memory_space<vmem>>, vector<256x1024xf32>
    tpu.vector_store %arg7[%swap3A, %swap3A_54], %select_n3A {strides = array<i32>} : memref<256x1024xf32, #tpu.memory_space<vmem>>, vector<256x1024xf32>,
    return
  }
  func.func @transform_0(%arg0: i32, %arg1: memref<8x128xi32, #tpu.memory_space<smem>>) -> (i32, i32) {
    %get3A = arith.constant 3 : index
    %get3A_0 = arith.index_cast %arg0 : i32 to index
    %get3A_1 = memref.load %arg1[%get3A, %get3A_0] : memref<8x128xi32, #tpu.memory_space<smem>>
    %c0_i32 = arith.constant 0 : i32
    %c0_i32_2 = arith.constant 0 : i32
    return %get3A_1, %c0_i32 : i32, i32
  }
  func.func @transform_1(%arg0: i32, %arg1: memref<8x128xi32, #tpu.memory_space<smem>>) -> (i32, i32, i32) {
    %get3A = arith.constant 2 : index
    %get3A_0 = arith.index_cast %arg0 : i32 to index
    %get3A_1 = memref.load %arg1[%get3A, %get3A_0] : memref<8x128xi32, #tpu.memory_space<smem>>
    %c0_i32 = arith.constant 0 : i32
    %c0_i32_2 = arith.constant 0 : i32
    %c0_i32_3 = arith.constant 0 : i32
    return %get3A_1, %c0_i32, %c0_i32_2 : i32, i32, i32
  }
  func.func @transform_2(%arg0: i32, %arg1: memref<8x128xi32, #tpu.memory_space<smem>>) -> (i32, i32, i32) {
    %get3A = arith.constant 2 : index
    %get3A_0 = arith.index_cast %arg0 : i32 to index
    %get3A_1 = memref.load %arg1[%get3A, %get3A_0] : memref<8x128xi32, #tpu.memory_space<smem>>
    %c0_i32 = arith.constant 0 : i32
    %c0_i32_2 = arith.constant 0 : i32
    %c0_i32_3 = arith.constant 0 : i32
    return %get3A_1, %c0_i32, %c0_i32_2 : i32, i32, i32
  }
  func.func @transform_3(%arg0: i32, %arg1: memref<8x128xi32, #tpu.memory_space<smem>>) -> (i32, i32, i32) {
    %get3A = arith.constant 2 : index
    %get3A_0 = arith.index_cast %arg0 : i32 to index
    %get3A_1 = memref.load %arg1[%get3A, %get3A_0] : memref<8x128xi32, #tpu.memory_space<smem>>
    %c0_i32 = arith.constant 0 : i32
    %c0_i32_2 = arith.constant 0 : i32
    %c0_i32_3 = arith.constant 0 : i32
    return %get3A_1, %c0_i32, %c0_i32_2 : i32, i32, i32
  }
  func.func @transform_4(%arg0: i32, %arg1: memref<8x128xi32, #tpu.memory_space<smem>>) -> (i32, i32, i32) {
    %get3A = arith.constant 2 : index
    %get3A_0 = arith.index_cast %arg0 : i32 to index
    %get3A_1 = memref.load %arg1[%get3A, %get3A_0] : memref<8x128xi32, #tpu.memory_space<smem>>
    %c0_i32 = arith.constant 0 : i32
    %c0_i32_2 = arith.constant 0 : i32
    %c0_i32_3 = arith.constant 0 : i32
    return %get3A_1, %c0_i32, %c0_i32_2 : i32, i32, i32
  }
  func.func @transform_5(%arg0: i32, %arg1: memref<8x128xi32, #tpu.memory_space<smem>>) -> (i32, i32) {
    %get3A = arith.constant 3 : index
    %get3A_0 = arith.index_cast %arg0 : i32 to index
    %get3A_1 = memref.load %arg1[%get3A, %get3A_0] : memref<8x128xi32, #tpu.memory_space<smem>>
    %c0_i32 = arith.constant 0 : i32
    %c0_i32_2 = arith.constant 0 : i32
    return %get3A_1, %c0_i32 : i32, i32
  }
}

</mosaic_0001>

<sc_bundles>
// kernel: kernel.10.cloned.1.call-start
scs
__scs_entry_jumppad:
0x0: {  	(pc) =	sbr.rel $0x88, $3  }
0x1: {  	(tag) =	ssettag $0x0;
	lr =	simm.s32 $0x1  }
0x2: {  	[smem:$0x3F9A] =	sst lr;
	_ =	strace $0xD0000000  }
0x3: {  	_ = 	snop  }
0x4: {  	_ = 	snop  }
0x5: {  	_ = 	snop  }
0x6: {  	_ = 	snop  }
0x7: {  	_ = 	snop  }
__scs_overlays_trampoline_lowered:
0x8: {  	[smem:$0x3FA9] =	sst s0  }
0x9: {  	[smem:$0x3FAA] =	sst s1  }
0xa: {  	[smem:$0x3FAB] =	sst s2  }
0xb: {  	[smem:$0x3FAC] =	sst s3  }
0xc: {  	[smem:$0x3FAD] =	sst s4  }
0xd: {  	[smem:$0x3FAE] =	sst s5  }
0xe: {  	[smem:$0x3FAF] =	sst s6  }
0xf: {  	[smem:$0x3FB0] =	sst s7  }
0x10: {  	[smem:$0x3FB1] =	sst s8  }
0x11: {  	[smem:$0x3FB2] =	sst s9;
	s0 =	simm.s32 @!p0 $0x0  }
0x12: {  	s1 =	sld [smem:$0x3F98];
	s0 =	simm.s32 @p0 $0x1  }
0x13: {  	[smem:$0x3FB3] =	sst s0;
	s0 =	simm.s32 @!p1 $0x0  }
0x14: {  	s2 =	sld [smem:$0x3F97];
	s0 =	simm.s32 @p1 $0x1  }
0x15: {  	[smem:$0x3FB4] =	sst s0;
	s0 =	simm.s32 @!p2 $0x0  }
0x16: {  	s3 =	sld [smem:$0x3FDB];
	s0 =	simm.s32 @p2 $0x1  }
0x17: {  	s4 =	simm.s32 $0x1BF5;
	[smem:$0x3FB6] =	sst s0  }
0x18: {  	s0 =	sld [smem:$0x3F99];
	_ =	swait.ge [sflag:s4], $0x0  }
0x19: {  	s7 =	sld [smem:$0x3F9A]  }
0x1a: {  	s8 =	sadd.s32 $0xFFFFE003, lr  }
0x1b: {  	s9 =	sadd.s32 $0xFFFFFEF7, lr;
	s5 =	simm.s32 $0xFFFFFFFF;
	p2 =	slt.u32 s8, $0xFFFFF086  }
0x1c: {  	p1 =	slt.u32 s9, $0xF7A;
	s5 =	simm.s32 @!p2 $0x0  }
0x1d: {  	s5 =	simm.s32 @p1 $0x1;
	p0 =	seq.s32 s7, s2  }
0x1e: {  	s7 =	smul.u32 @!p0 $0xF7A, s2;
	p2 =	seq.s32 @!p0 s5, $0x0  }
0x1f: {  	s9 =	smul.u32 $0xF7A, s1;
	s8 =	simm.s32 @!p0 $0x1BF5;
	p2 =	por !p2, p0  }
0x20: {  	[sflag:s8] =	ssyncset.s32 @!p0 $0xFFFFF086;
	s6 =	sadd.s32 @!p0 s3, s7;
	s7 =	simm.s32 @!p0 $0x108  }
0x21: {  	s3 =	sadd.s32 s3, s9;
	s6 =	sadd.s32 @!p0 $0x88, s6;
	s7 =	simm.s32 @p2 $0x1082  }
0x22: {  	[simem:s7], [sflag:s8] =	dma.local @!p0 [hbm:s6], $0xF7A  }
0x23: {  	s9 =	sor.u32 $0xD0000000, s2;
	s6 =	simm.s32 $0x108;
	_ =	swait.ge @!p0 [sflag:s8], $0x0  }
0x24: {  	s3 =	sadd.s32 $0x88, s3;
	s6 =	simm.s32 @!p1 $0x1082;
	[sflag:s4] =	ssyncset.s32 $0xFFFFF086  }
0x25: {  	[simem:s6], [sflag:s4] =	dma.local [hbm:s3], $0xF7A  }
0x26: {  	[smem:$0x3F9A] =	sst s1;
	(tag) =	ssettag s2;
	_ =	strace s9  }
0x27: {  	s1 =	sld [smem:$0x3FAA]  }
0x28: {  	s2 =	sld [smem:$0x3FAB]  }
0x29: {  	s4 =	sld [smem:$0x3FAD]  }
0x2a: {  	p0 =	seq.s32 s5, $0x0;
	s5 =	sld [smem:$0x3FAE]  }
0x2b: {  	s6 =	sld [smem:$0x3FAF]  }
0x2c: {  	s7 =	sld [smem:$0x3FB0]  }
0x2d: {  	s3 =	simm.s32 $0x108;
	s8 =	sld [smem:$0x3FB1]  }
0x2e: {  	s3 =	simm.s32 @!p0 $0x1082;
	s9 =	sld [smem:$0x3FB2]  }
0x2f: {  	lr =	sadd.s32 s0, s3;
	s0 =	sld [smem:$0x3FA9]  }
0x30: {  	s3 =	sld [smem:$0x3FAC]  }
0x31: {  	[smem:$0x3FB5] =	sst s10  }
0x32: {  	s10 =	sld [smem:$0x3FB3];
	_ =	sdelay $0x3  }
0x33: {  	p0 =	seq.s32 s10, $0x1;
	s10 =	sld [smem:$0x3FB5];
	_ =	sdelay $0x3  }
0x34: {  	[smem:$0x3FB5] =	sst s10  }
0x35: {  	s10 =	sld [smem:$0x3FB4];
	_ =	sdelay $0x3  }
0x36: {  	p1 =	seq.s32 s10, $0x1;
	s10 =	sld [smem:$0x3FB5];
	_ =	sdelay $0x3  }
0x37: {  	[smem:$0x3FB5] =	sst s10  }
0x38: {  	s10 =	sld [smem:$0x3FB6]  }
0x39: {  	_ = 	snop;
	(pc) =	sbr.ind lr, $3  }
0x3a: {  	_ = 	snop  }
0x3b: {  	_ = 	snop  }
0x3c: {  	p2 =	seq.s32 s10, $0x1;
	s10 =	sld [smem:$0x3FB5]  }
0x3d: {  	_ =	shalt  }
0x3e: {  	_ =	shalt  }
0x3f: {  	_ =	shalt  }
0x40: {  	_ =	shalt  }
0x41: {  	_ =	shalt  }
0x42: {  	_ =	shalt  }
0x43: {  	_ =	shalt  }
0x44: {  	_ =	shalt  }
0x45: {  	_ =	shalt  }
0x46: {  	_ =	shalt  }
0x47: {  	_ =	shalt  }
0x48: {  	_ =	shalt  }
0x49: {  	_ =	shalt  }
0x4a: {  	_ =	shalt  }
0x4b: {  	_ =	shalt  }
0x4c: {  	_ =	shalt  }
0x4d: {  	_ =	shalt  }
0x4e: {  	_ =	shalt  }
0x4f: {  	_ =	shalt  }
0x50: {  	_ =	shalt  }
0x51: {  	_ =	shalt  }
0x52: {  	_ =	shalt  }
0x53: {  	_ =	shalt  }
0x54: {  	_ =	shalt  }
0x55: {  	_ =	shalt  }
0x56: {  	_ =	shalt  }
0x57: {  	_ =	shalt  }
0x58: {  	_ =	shalt  }
0x59: {  	_ =	shalt  }
0x5a: {  	_ =	shalt  }
0x5b: {  	_ =	shalt  }
0x5c: {  	_ =	shalt  }
0x5d: {  	_ =	shalt  }
0x5e: {  	_ =	shalt  }
0x5f: {  	_ =	shalt  }
0x60: {  	_ =	shalt  }
0x61: {  	_ =	shalt  }
0x62: {  	_ =	shalt  }
0x63: {  	_ =	shalt  }
0x64: {  	_ =	shalt  }
0x65: {  	_ =	shalt  }
0x66: {  	_ =	shalt  }
0x67: {  	_ =	shalt  }
0x68: {  	_ =	shalt  }
0x69: {  	_ =	shalt  }
0x6a: {  	_ =	shalt  }
0x6b: {  	_ =	shalt  }
0x6c: {  	_ =	shalt  }
0x6d: {  	_ =	shalt  }
0x6e: {  	_ =	shalt  }
0x6f: {  	_ =	shalt  }
0x70: {  	_ =	shalt  }
0x71: {  	_ =	shalt  }
0x72: {  	_ =	shalt  }
0x73: {  	_ =	shalt  }
0x74: {  	_ =	shalt  }
0x75: {  	_ =	shalt  }
0x76: {  	_ =	shalt  }
0x77: {  	_ =	shalt  }
0x78: {  	_ =	shalt  }
0x79: {  	_ =	shalt  }
0x7a: {  	_ =	shalt  }
0x7b: {  	_ =	shalt  }
0x7c: {  	_ =	shalt  }
0x7d: {  	_ =	shalt  }
0x7e: {  	_ =	shalt  }
0x7f: {  	_ =	shalt  }
0x80: {  	_ =	shalt  }
0x81: {  	_ =	shalt  }
0x82: {  	_ =	shalt  }
0x83: {  	_ =	shalt  }
0x84: {  	_ =	shalt  }
0x85: {  	_ =	shalt  }
0x86: {  	_ =	shalt  }
0x87: {  	_ =	shalt  }
.Lfunc_end0:
.L_simem_size_0:
called_computation.1_lowered:
.L_overlay_start_0:
0x88: {  	s2 =	sld [smem:$0x3FD9]  }
0x89: {  	s3 =	sld [smem:$0x3FFE];
	_ =	sdelay $0x1  }
0x8a: {  	s1 =	srdreg.scid  }
0x8b: {  	s0 =	sand.u32 $0x1, s1  }
0x8c: {  	s17 =	sshll.u32 s0, $0xA;
	s2 =	sadd.s32 s3, s2  }
0x8d: {  	s2 =	sadd.s32 s2, s17  }
0x8e: {  	[smem:$0x3FC1] =	sst s2  }
0x8f: {  	_ = 	snop  }
0x90: {  	s2 =	sld [smem:$0x3FD0];
	(tm) =	ssettm $0x1  }
0x91: {  	s18 =	sld [smem:$0x3FFB];
	_ =	sdelay $0x3  }
0x92: {  	_ =	strace s18  }
0x93: {  	s3 =	sld [smem:$0x3FFC];
	_ =	sdelay $0x3  }
0x94: {  	_ =	strace s3  }
0x95: {  	s3 =	sld [smem:$0x3FFD];
	_ =	sdelay $0x3  }
0x96: {  	_ =	strace s3  }
0x97: {  	_ =	strace $0x8FFFFFFF  }
0x98: {  	s19 =	sld [smem:$0x3FDB];
	_ =	sdelay $0x1  }
0x99: {  	s4 =	simm.s32 $_scs_section_size  }
0x9a: {  	s5 =	simm.s32 $_size__tile_overlayer_lowered;
	s6 =	simm.s32 $_tile_overlayer_lowered  }
0x9b: {  	s22 =	simm.s32 $0x1BFF;
	s21 =	sshll.u32 s6, $0x1;
	s3 =	sadd.s32 s4, s19  }
0x9c: {  	s7 =	simm.s32 $0x0;
	s20 =	sshll.u32 s5, $0x1;
	s5 =	sadd.s32 s21, s3  }
0x9d: {  	[timem:s7], [sflag:s22] =	dma.local [hbm:s5], s20  }
0x9e: {  	_ =	swait.ge [sflag:s22], s20  }
0x9f: {  	s4 =	ssub.s32 $0x0, s20;
	[sflag:s22] =	ssyncset.done $0x0  }
0xa0: {  	[sflag:s22] =	ssyncadd.s32 s4;
	_ =	sdelay $0x1  }
0xa1: {  	s23 =	simm.s32 $0x1B8B  }
0xa2: {  	_ =	swait.ge [sflag:s23], $0x1  }
0xa3: {  	[sflag:s23] =	ssyncset.done $0x0  }
0xa4: {  	s25 =	simm.s32 $0x1B8E;
	s24 =	sld [smem:$0x3FFE];
	[sflag:s23] =	ssyncadd.s32 $0xFFFFFFFF  }
0xa5: {  	s26 =	simm.s32 $execute0_lowered;
	[smem:$0x3FD2] =	sst s25  }
0xa6: {  	s5 =	sshll.u32 s26, $0x1;
	_ =	strace $0x80000049;
	[dreg:$0x1] =	wrdreg $0xFFFFFFFF  }
0xa7: {  	s28 =	simm.s32 $_size_execute0_lowered;
	s3 =	sadd.s32 s3, s5;
	[dreg:$0x0] =	wrdreg $0x0  }
0xa8: {  	s5 =	sshll.u32 s28, $0x1;
	[dreg:$0x2] =	wrdreg s3  }
0xa9: {  	[dreg:$0x3] =	wrdreg s5  }
0xaa: {  	[dreg:$0x4] =	wrdreg $0xC0  }
0xab: {  	_ =	task [dreg:s7], $0x5FFFF  }
0xac: {  	[dreg:$0x1] =	wrdreg $0xFFFFFFFF  }
0xad: {  	[dreg:$0x0] =	wrdreg $0x60  }
0xae: {  	[dreg:$0x2] =	wrdreg s24  }
0xaf: {  	[dreg:$0x3] =	wrdreg s2  }
0xb0: {  	[dreg:$0x4] =	wrdreg $0x9  }
0xb1: {  	_ =	task.clear_ibuf [dreg:s7], $0x5FFFF;
	_ =	strace $0x90000049  }
0xb2: {  	s29 =	simm.s32 $0x9;
	_ =	strace $0x8000004B  }
0xb3: {  	_ =	swait.ge [sflag:s29], $0x1  }
0xb4: {  	[sflag:s29] =	ssyncadd.s32 $0xFFFFFFFF  }
0xb5: {  	_ =	strace $0x9000004B  }
0xb6: {  	_ =	sfence  }
0xb7: {  	s30 =	sld [smem:$0x0];
	_ =	sdelay $0x2  }
0xb8: {  	s31 =	sshll.u32 s1, $0xD;
	s1 =	sshrl.u32 s1, $0x2  }
0xb9: {  	s3 =	sand.u32 $0x4000, s31;
	s1 =	sadd.s32 s1, s30  }
0xba: {  	s0 =	sor.u32 s3, s0;
	s1 =	sshll.u32 s1, $0x11  }
0xbb: {  	s0 =	sor.u32 s1, s0  }
0xbc: {  	s0 =	sadd.s32 $0x8F2B, s0  }
0xbd: {  	[sflag:s0] =	ssyncadd.remote.s32 $0x1  }
0xbe: {  	_ =	sfence.sel $0xFFFF  }
0xbf: {  	[dreg:$0x0] =	wrdreg $0xFFFFFFFF;
	(pc) =	sbr.abs _section_cstart, $3  }
0xc0: {  	[dreg:$0x1] =	wrdreg $0xFFFFFFFF  }
0xc1: {  	_ =	task.clear_ibuf [dreg:s7], $0x2FFFF;
	_ =	strace $0x9FFFFFFF  }
0xc2: {  	(tm) =	ssettm $0x7FFFFFFF  }
0xc3: {  	_ =	shalt  }
tec
execute0_lowered:
.L_overlay_start_1:
0x0: {  	(tag) =	ssettag $0x1  }
0x1: {  	s0 =	rddreg [dreg:$0x0]  }
0x2: {  	s1 =	rddreg [dreg:$0x1]  }
0x3: {  	s2 =	srdreg.scid;
	s4 =	stileid.u32;
	s18 =	simm.s32 $0x1  }
0x4: {  	s20 =	simm.s32 $0x880;
	s21 =	simm.s32 $0x1080;
	s28 =	simm.s32 $0x4080  }
0x5: {  	s29 =	simm.s32 $0x4880;
	s30 =	simm.s32 $0x5080;
	s31 =	simm.s32 $0x5880  }
0x6: {  	s11 =	simm.s32 $0x7880;
	s12 =	simm.s32 $0x8080;
	s13 =	simm.s32 $0x8880  }
0x7: {  	s14 =	simm.s32 $0x9080;
	s15 =	simm.s32 $0x9880;
	s16 =	simm.s32 $0xA080  }
0x8: {  	s17 =	simm.s32 $0xA880;
	s3 =	sand.u32 $0x1, s2;
	s2 =	simm.s32 $0x0  }
0x9: {  	s4 =	sshll.u32 s4, $0x8;
	s6 =	sadd.s32 $0x1600, s0;
	s5 =	sshll.u32 s3, $0x7  }
0xa: {  	[smem:$0x7FF] =	sst s2;
	s22 =	ssub.s32 $0x2, s3;
	s3 =	sadd.s32 $0x1800, s0  }
0xb: {  	s5 =	sor.u32 s5, s4;
	_ =	strace $0x8000004A;
	s7 =	sshrl.u32 s22, $0x1  }
0xc: {  	s4 =	sadd.s32 $0x1900, s0;
	s23 =	sshrl.u32 s5, $0x3;
	s7 =	ssub.s32 s22, s7  }
0xd: {  	s24 =	sshll.u32 s5, $0x7;
	s9 =	sor.u32 $0x40, s5;
	s5 =	sadd.s32 $0x1A00, s0  }
0xe: {  	s22 =	simm.s32 $0x1880;
	s8 =	sadd.s32 s6, s23;
	s10 =	sshrl.u32 s9, $0x3  }
0xf: {  	s9 =	sshll.u32 s9, $0x7;
	s7 =	smax.u32 s7, $0x1;
	s23 =	simm.s32 $0x2080  }
0x10: {  	[dreg:$0x3] =	wrdreg s8;
	s8 =	sadd.s32 s1, s24;
	s25 =	sadd.s32 s6, s10  }
0x11: {  	s6 =	sadd.s32 $0x1B00, s0;
	s26 =	sadd.s32 s1, s9;
	[dreg:$0x4] =	wrdreg s8  }
0x12: {  	v2 =	vlaneseq.u32;
	s0 =	simm.s32 $0x80;
	s24 =	simm.s32 $0x2880;
	[dreg:$0x5] =	wrdreg s25  }
0x13: {  	vm0 =	vmmov $0xffff;
	v1 =	vshrl.u32 v2, $0x3;
	s10 =	simm.s32 $0x7080;
	s9 =	simm.s32 $0xB080;
	[dreg:$0x6] =	wrdreg s26  }
0x14: {  	v0 =	vand.u32 $0x7, v2;
	v2 =	vor.u32 $0x8, v2;
	v1 =	vmul.u32 $0x8, v1;
	s8 =	simm.s32 $0x2;
	s25 =	simm.s32 $0x3080;
	s26 =	simm.s32 $0x3880  }
.LBB2_1:
0x15: {  	s19 =	rddreg [dreg:$0x3]  }
0x16: {  	[tilespmem:s2], [sflag:$0x2] =	stream.linear.gather [hbm4b:s19+s2], $0x40, $0x38;
	[tilespmem:$0x10080] =	vst v63  }
0x17: {  	_ =	swait.ge [sflag:s8], $0x40  }
0x18: {  	[sflag:s8] =	ssyncset.done $0x0  }
0x19: {  	[sflag:s8] =	ssyncadd.s32 $0xFFFFFFC0  }
0x1a: {  	v3 =	vld [tilespmem:$0x0];
	_ =	sdelay $0x4  }
0x1b: {  	v4 =	vshll.u32 v3, $0x3  }
0x1c: {  	v3 =	vand.u32 $0x7, v3;
	v4 =	vand.u32 $0xFFFFFFC0, v4  }
0x1d: {  	v3 =	vor.u32 v3, v4  }
0x1e: {  	v4 =	vperm.xlane v3, v0;
	_ =	sdelay $0x1  }
0x1f: {  	v4 =	vadd.s32 v1, v4;
	_ =	sdelay $0x4  }
0x20: {  	[tilespmem:s0], [sflag:$0x1] =	stream.indirect_vreg.gather [hbm4b:s3+s2], $0x80, v4, vm0, $0xb8;
	[tilespmem:$0x10080] =	vst v63  }
0x21: {  	v3 =	vperm.xlane v3, v2  }
0x22: {  	[tilespmem:s20], [sflag:$0x1] =	stream.indirect_vreg.gather [hbm4b:s4+s2], $0x80, v4, vm0, $0xb8;
	[tilespmem:$0x10080] =	vst v63  }
0x23: {  	v3 =	vadd.s32 v1, v3  }
0x24: {  	[tilespmem:s21], [sflag:$0x1] =	stream.indirect_vreg.gather [hbm4b:s5+s2], $0x80, v4, vm0, $0xb8;
	[tilespmem:$0x10080] =	vst v63  }
0x25: {  	_ = 	snop  }
0x26: {  	[tilespmem:s22], [sflag:$0x1] =	stream.indirect_vreg.gather [hbm4b:s6+s2], $0x80, v4, vm0, $0xb8;
	[tilespmem:$0x10080] =	vst v63  }
0x27: {  	_ = 	snop  }
0x28: {  	[tilespmem:s23], [sflag:$0x1] =	stream.indirect_vreg.gather [hbm4b:s3+s2], $0x80, v3, vm0, $0xb8;
	[tilespmem:$0x10080] =	vst v63  }
0x29: {  	_ = 	snop  }
0x2a: {  	[tilespmem:s24], [sflag:$0x1] =	stream.indirect_vreg.gather [hbm4b:s4+s2], $0x80, v3, vm0, $0xb8;
	[tilespmem:$0x10080] =	vst v63  }
0x2b: {  	_ = 	snop  }
0x2c: {  	[tilespmem:s25], [sflag:$0x1] =	stream.indirect_vreg.gather [hbm4b:s5+s2], $0x80, v3, vm0, $0xb8;
	[tilespmem:$0x10080] =	vst v63  }
0x2d: {  	_ = 	snop  }
0x2e: {  	[tilespmem:s26], [sflag:$0x1] =	stream.indirect_vreg.gather [hbm4b:s6+s2], $0x80, v3, vm0, $0xb8;
	[tilespmem:$0x10080] =	vst v63  }
0x2f: {  	v3 =	vld [tilespmem:$0x10];
	_ =	sdelay $0x4  }
0x30: {  	v57 =	vshll.u32 v3, $0x3  }
0x31: {  	v3 =	vand.u32 $0x7, v3;
	v4 =	vand.u32 $0xFFFFFFC0, v57  }
0x32: {  	v3 =	vor.u32 v3, v4  }
0x33: {  	v4 =	vperm.xlane v3, v0;
	_ =	sdelay $0x1  }
0x34: {  	v4 =	vadd.s32 v1, v4;
	_ =	sdelay $0x4  }
0x35: {  	[tilespmem:s28], [sflag:$0x1] =	stream.indirect_vreg.gather [hbm4b:s3+s2], $0x80, v4, vm0, $0xb8;
	[tilespmem:$0x10080] =	vst v63  }
0x36: {  	v3 =	vperm.xlane v3, v2  }
0x37: {  	[tilespmem:s29], [sflag:$0x1] =	stream.indirect_vreg.gather [hbm4b:s4+s2], $0x80, v4, vm0, $0xb8;
	[tilespmem:$0x10080] =	vst v63  }
0x38: {  	v3 =	vadd.s32 v1, v3  }
0x39: {  	[tilespmem:s30], [sflag:$0x1] =	stream.indirect_vreg.gather [hbm4b:s5+s2], $0x80, v4, vm0, $0xb8;
	[tilespmem:$0x10080] =	vst v63  }
0x3a: {  	_ = 	snop  }
0x3b: {  	[tilespmem:s31], [sflag:$0x1] =	stream.indirect_vreg.gather [hbm4b:s6+s2], $0x80, v4, vm0, $0xb8;
	[tilespmem:$0x10080] =	vst v63  }
0x3c: {  	s1 =	simm.s32 $0x6080  }
0x3d: {  	[tilespmem:s1], [sflag:$0x1] =	stream.indirect_vreg.gather [hbm4b:s3+s2], $0x80, v3, vm0, $0xb8;
	[tilespmem:$0x10080] =	vst v63  }
0x3e: {  	s1 =	simm.s32 $0x6880  }
0x3f: {  	[tilespmem:s1], [sflag:$0x1] =	stream.indirect_vreg.gather [hbm4b:s4+s2], $0x80, v3, vm0, $0xb8;
	[tilespmem:$0x10080] =	vst v63  }
0x40: {  	_ = 	snop  }
0x41: {  	[tilespmem:s10], [sflag:$0x1] =	stream.indirect_vreg.gather [hbm4b:s5+s2], $0x80, v3, vm0, $0xb8;
	[tilespmem:$0x10080] =	vst v63  }
0x42: {  	_ = 	snop  }
0x43: {  	[tilespmem:s11], [sflag:$0x1] =	stream.indirect_vreg.gather [hbm4b:s6+s2], $0x80, v3, vm0, $0xb8;
	[tilespmem:$0x10080] =	vst v63  }
0x44: {  	v3 =	vld [tilespmem:$0x20];
	_ =	sdelay $0x4  }
0x45: {  	v58 =	vshll.u32 v3, $0x3  }
0x46: {  	v3 =	vand.u32 $0x7, v3;
	v4 =	vand.u32 $0xFFFFFFC0, v58  }
0x47: {  	v3 =	vor.u32 v3, v4  }
0x48: {  	v4 =	vperm.xlane v3, v0;
	_ =	sdelay $0x1  }
0x49: {  	v4 =	vadd.s32 v1, v4;
	_ =	sdelay $0x4  }
0x4a: {  	[tilespmem:s12], [sflag:$0x1] =	stream.indirect_vreg.gather [hbm4b:s3+s2], $0x80, v4, vm0, $0xb8;
	[tilespmem:$0x10080] =	vst v63  }
0x4b: {  	v3 =	vperm.xlane v3, v2  }
0x4c: {  	[tilespmem:s13], [sflag:$0x1] =	stream.indirect_vreg.gather [hbm4b:s4+s2], $0x80, v4, vm0, $0xb8;
	[tilespmem:$0x10080] =	vst v63  }
0x4d: {  	v3 =	vadd.s32 v1, v3  }
0x4e: {  	[tilespmem:s14], [sflag:$0x1] =	stream.indirect_vreg.gather [hbm4b:s5+s2], $0x80, v4, vm0, $0xb8;
	[tilespmem:$0x10080] =	vst v63  }
0x4f: {  	_ = 	snop  }
0x50: {  	[tilespmem:s15], [sflag:$0x1] =	stream.indirect_vreg.gather [hbm4b:s6+s2], $0x80, v4, vm0, $0xb8;
	[tilespmem:$0x10080] =	vst v63  }
0x51: {  	_ = 	snop  }
0x52: {  	[tilespmem:s16], [sflag:$0x1] =	stream.indirect_vreg.gather [hbm4b:s3+s2], $0x80, v3, vm0, $0xb8;
	[tilespmem:$0x10080] =	vst v63  }
0x53: {  	_ = 	snop  }
0x54: {  	[tilespmem:s17], [sflag:$0x1] =	stream.indirect_vreg.gather [hbm4b:s4+s2], $0x80, v3, vm0, $0xb8;
	[tilespmem:$0x10080] =	vst v63  }
0x55: {  	_ = 	snop  }
0x56: {  	[tilespmem:s9], [sflag:$0x1] =	stream.indirect_vreg.gather [hbm4b:s5+s2], $0x80, v3, vm0, $0xb8;
	[tilespmem:$0x10080] =	vst v63  }
0x57: {  	s19 =	simm.s32 $0xB880  }
0x58: {  	[tilespmem:s19], [sflag:$0x1] =	stream.indirect_vreg.gather [hbm4b:s6+s2], $0x80, v3, vm0, $0xb8;
	[tilespmem:$0x10080] =	vst v63  }
0x59: {  	v3 =	vld [tilespmem:$0x30];
	_ =	sdelay $0x4  }
0x5a: {  	v59 =	vshll.u32 v3, $0x3  }
0x5b: {  	v3 =	vand.u32 $0x7, v3;
	v4 =	vand.u32 $0xFFFFFFC0, v59  }
0x5c: {  	v3 =	vor.u32 v3, v4  }
0x5d: {  	v4 =	vperm.xlane v3, v0;
	_ =	sdelay $0x1  }
0x5e: {  	v4 =	vadd.s32 v1, v4;
	_ =	sdelay $0x3  }
0x5f: {  	s19 =	simm.s32 $0xC080  }
0x60: {  	[tilespmem:s19], [sflag:$0x1] =	stream.indirect_vreg.gather [hbm4b:s3+s2], $0x80, v4, vm0, $0xb8;
	[tilespmem:$0x10080] =	vst v63  }
0x61: {  	v3 =	vperm.xlane v3, v2;
	s19 =	simm.s32 $0xC880  }
0x62: {  	[tilespmem:s19], [sflag:$0x1] =	stream.indirect_vreg.gather [hbm4b:s4+s2], $0x80, v4, vm0, $0xb8;
	[tilespmem:$0x10080] =	vst v63  }
0x63: {  	v3 =	vadd.s32 v1, v3;
	s19 =	simm.s32 $0xD080  }
0x64: {  	[tilespmem:s19], [sflag:$0x1] =	stream.indirect_vreg.gather [hbm4b:s5+s2], $0x80, v4, vm0, $0xb8;
	[tilespmem:$0x10080] =	vst v63  }
0x65: {  	s19 =	simm.s32 $0xD880  }
0x66: {  	[tilespmem:s19], [sflag:$0x1] =	stream.indirect_vreg.gather [hbm4b:s6+s2], $0x80, v4, vm0, $0xb8;
	[tilespmem:$0x10080] =	vst v63  }
0x67: {  	s19 =	simm.s32 $0xE080  }
0x68: {  	[tilespmem:s19], [sflag:$0x1] =	stream.indirect_vreg.gather [hbm4b:s3+s2], $0x80, v3, vm0, $0xb8;
	[tilespmem:$0x10080] =	vst v63  }
0x69: {  	s19 =	simm.s32 $0xE880  }
0x6a: {  	[tilespmem:s19], [sflag:$0x1] =	stream.indirect_vreg.gather [hbm4b:s4+s2], $0x80, v3, vm0, $0xb8;
	[tilespmem:$0x10080] =	vst v63  }
0x6b: {  	s19 =	simm.s32 $0xF080  }
0x6c: {  	[tilespmem:s19], [sflag:$0x1] =	stream.indirect_vreg.gather [hbm4b:s5+s2], $0x80, v3, vm0, $0xb8;
	[tilespmem:$0x10080] =	vst v63  }
0x6d: {  	s19 =	simm.s32 $0xF880  }
0x6e: {  	[tilespmem:s19], [sflag:$0x1] =	stream.indirect_vreg.gather [hbm4b:s6+s2], $0x80, v3, vm0, $0xb8;
	[tilespmem:$0x10080] =	vst v63  }
0x6f: {  	_ =	swait.ge [sflag:s18], $0x10000  }
0x70: {  	[sflag:s18] =	ssyncset.done $0x0  }
0x71: {  	s19 =	rddreg [dreg:$0x4];
	[sflag:s18] =	ssyncadd.s32 $0xFFFF0000  }
0x72: {  	[hbm4b:s19+s2] =	stream.linear.scatter [tilespmem:s0], [sflag:$0x2], $0x10000, $0x38;
	[tilespmem:$0x10080] =	vst v63  }
0x73: {  	_ =	swait.ge [sflag:s8], $0x10000  }
0x74: {  	[sflag:s8] =	ssyncset.done $0x0  }
0x75: {  	s19 =	rddreg [dreg:$0x5];
	[sflag:s8] =	ssyncadd.s32 $0xFFFF0000  }
0x76: {  	[tilespmem:s2], [sflag:$0x2] =	stream.linear.gather [hbm4b:s19+s2], $0x40, $0x38;
	[tilespmem:$0x10080] =	vst v63  }
0x77: {  	_ =	swait.ge [sflag:s8], $0x40  }
0x78: {  	[sflag:s8] =	ssyncset.done $0x0  }
0x79: {  	[sflag:s8] =	ssyncadd.s32 $0xFFFFFFC0  }
0x7a: {  	v3 =	vld [tilespmem:$0x0];
	_ =	sdelay $0x4  }
0x7b: {  	v60 =	vshll.u32 v3, $0x3  }
0x7c: {  	v3 =	vand.u32 $0x7, v3;
	v4 =	vand.u32 $0xFFFFFFC0, v60  }
0x7d: {  	v3 =	vor.u32 v3, v4  }
0x7e: {  	v4 =	vperm.xlane v3, v0;
	_ =	sdelay $0x1  }
0x7f: {  	v4 =	vadd.s32 v1, v4;
	_ =	sdelay $0x4  }
0x80: {  	[tilespmem:s0], [sflag:$0x1] =	stream.indirect_vreg.gather [hbm4b:s3+s2], $0x80, v4, vm0, $0xb8;
	[tilespmem:$0x10080] =	vst v63  }
0x81: {  	v3 =	vperm.xlane v3, v2  }
0x82: {  	[tilespmem:s20], [sflag:$0x1] =	stream.indirect_vreg.gather [hbm4b:s4+s2], $0x80, v4, vm0, $0xb8;
	[tilespmem:$0x10080] =	vst v63  }
0x83: {  	v3 =	vadd.s32 v1, v3  }
0x84: {  	[tilespmem:s21], [sflag:$0x1] =	stream.indirect_vreg.gather [hbm4b:s5+s2], $0x80, v4, vm0, $0xb8;
	[tilespmem:$0x10080] =	vst v63  }
0x85: {  	_ = 	snop  }
0x86: {  	[tilespmem:s22], [sflag:$0x1] =	stream.indirect_vreg.gather [hbm4b:s6+s2], $0x80, v4, vm0, $0xb8;
	[tilespmem:$0x10080] =	vst v63  }
0x87: {  	_ = 	snop  }
0x88: {  	[tilespmem:s23], [sflag:$0x1] =	stream.indirect_vreg.gather [hbm4b:s3+s2], $0x80, v3, vm0, $0xb8;
	[tilespmem:$0x10080] =	vst v63  }
0x89: {  	_ = 	snop  }
0x8a: {  	[tilespmem:s24], [sflag:$0x1] =	stream.indirect_vreg.gather [hbm4b:s4+s2], $0x80, v3, vm0, $0xb8;
	[tilespmem:$0x10080] =	vst v63  }
0x8b: {  	_ = 	snop  }
0x8c: {  	[tilespmem:s25], [sflag:$0x1] =	stream.indirect_vreg.gather [hbm4b:s5+s2], $0x80, v3, vm0, $0xb8;
	[tilespmem:$0x10080] =	vst v63  }
0x8d: {  	_ = 	snop  }
0x8e: {  	[tilespmem:s26], [sflag:$0x1] =	stream.indirect_vreg.gather [hbm4b:s6+s2], $0x80, v3, vm0, $0xb8;
	[tilespmem:$0x10080] =	vst v63  }
0x8f: {  	v3 =	vld [tilespmem:$0x10];
	_ =	sdelay $0x4  }
0x90: {  	v61 =	vshll.u32 v3, $0x3  }
0x91: {  	v3 =	vand.u32 $0x7, v3;
	v4 =	vand.u32 $0xFFFFFFC0, v61  }
0x92: {  	v3 =	vor.u32 v3, v4  }
0x93: {  	v4 =	vperm.xlane v3, v0;
	_ =	sdelay $0x1  }
0x94: {  	v4 =	vadd.s32 v1, v4;
	_ =	sdelay $0x4  }
0x95: {  	[tilespmem:s28], [sflag:$0x1] =	stream.indirect_vreg.gather [hbm4b:s3+s2], $0x80, v4, vm0, $0xb8;
	[tilespmem:$0x10080] =	vst v63  }
0x96: {  	v3 =	vperm.xlane v3, v2  }
0x97: {  	[tilespmem:s29], [sflag:$0x1] =	stream.indirect_vreg.gather [hbm4b:s4+s2], $0x80, v4, vm0, $0xb8;
	[tilespmem:$0x10080] =	vst v63  }
0x98: {  	v3 =	vadd.s32 v1, v3  }
0x99: {  	[tilespmem:s30], [sflag:$0x1] =	stream.indirect_vreg.gather [hbm4b:s5+s2], $0x80, v4, vm0, $0xb8;
	[tilespmem:$0x10080] =	vst v63  }
0x9a: {  	_ = 	snop  }
0x9b: {  	[tilespmem:s31], [sflag:$0x1] =	stream.indirect_vreg.gather [hbm4b:s6+s2], $0x80, v4, vm0, $0xb8;
	[tilespmem:$0x10080] =	vst v63  }
0x9c: {  	s19 =	simm.s32 $0x6080  }
0x9d: {  	[tilespmem:s19], [sflag:$0x1] =	stream.indirect_vreg.gather [hbm4b:s3+s2], $0x80, v3, vm0, $0xb8;
	[tilespmem:$0x10080] =	vst v63  }
0x9e: {  	_ = 	snop  }
0x9f: {  	[tilespmem:s1], [sflag:$0x1] =	stream.indirect_vreg.gather [hbm4b:s4+s2], $0x80, v3, vm0, $0xb8;
	[tilespmem:$0x10080] =	vst v63  }
0xa0: {  	_ = 	snop  }
0xa1: {  	[tilespmem:s10], [sflag:$0x1] =	stream.indirect_vreg.gather [hbm4b:s5+s2], $0x80, v3, vm0, $0xb8;
	[tilespmem:$0x10080] =	vst v63  }
0xa2: {  	_ = 	snop  }
0xa3: {  	[tilespmem:s11], [sflag:$0x1] =	stream.indirect_vreg.gather [hbm4b:s6+s2], $0x80, v3, vm0, $0xb8;
	[tilespmem:$0x10080] =	vst v63  }
0xa4: {  	v3 =	vld [tilespmem:$0x20];
	_ =	sdelay $0x4  }
0xa5: {  	v62 =	vshll.u32 v3, $0x3  }
0xa6: {  	v3 =	vand.u32 $0x7, v3;
	v4 =	vand.u32 $0xFFFFFFC0, v62  }
0xa7: {  	v3 =	vor.u32 v3, v4  }
0xa8: {  	v4 =	vperm.xlane v3, v0;
	_ =	sdelay $0x1  }
0xa9: {  	v4 =	vadd.s32 v1, v4;
	_ =	sdelay $0x4  }
0xaa: {  	[tilespmem:s12], [sflag:$0x1] =	stream.indirect_vreg.gather [hbm4b:s3+s2], $0x80, v4, vm0, $0xb8;
	[tilespmem:$0x10080] =	vst v63  }
0xab: {  	v3 =	vperm.xlane v3, v2  }
0xac: {  	[tilespmem:s13], [sflag:$0x1] =	stream.indirect_vreg.gather [hbm4b:s4+s2], $0x80, v4, vm0, $0xb8;
	[tilespmem:$0x10080] =	vst v63  }
0xad: {  	v3 =	vadd.s32 v1, v3  }
0xae: {  	[tilespmem:s14], [sflag:$0x1] =	stream.indirect_vreg.gather [hbm4b:s5+s2], $0x80, v4, vm0, $0xb8;
	[tilespmem:$0x10080] =	vst v63  }
0xaf: {  	_ = 	snop  }
0xb0: {  	[tilespmem:s15], [sflag:$0x1] =	stream.indirect_vreg.gather [hbm4b:s6+s2], $0x80, v4, vm0, $0xb8;
	[tilespmem:$0x10080] =	vst v63  }
0xb1: {  	_ = 	snop  }
0xb2: {  	[tilespmem:s16], [sflag:$0x1] =	stream.indirect_vreg.gather [hbm4b:s3+s2], $0x80, v3, vm0, $0xb8;
	[tilespmem:$0x10080] =	vst v63  }
0xb3: {  	_ = 	snop  }
0xb4: {  	[tilespmem:s17], [sflag:$0x1] =	stream.indirect_vreg.gather [hbm4b:s4+s2], $0x80, v3, vm0, $0xb8;
	[tilespmem:$0x10080] =	vst v63  }
0xb5: {  	_ = 	snop  }
0xb6: {  	[tilespmem:s9], [sflag:$0x1] =	stream.indirect_vreg.gather [hbm4b:s5+s2], $0x80, v3, vm0, $0xb8;
	[tilespmem:$0x10080] =	vst v63  }
0xb7: {  	s19 =	simm.s32 $0xB880  }
0xb8: {  	[tilespmem:s19], [sflag:$0x1] =	stream.indirect_vreg.gather [hbm4b:s6+s2], $0x80, v3, vm0, $0xb8;
	[tilespmem:$0x10080] =	vst v63  }
0xb9: {  	v3 =	vld [tilespmem:$0x30];
	_ =	sdelay $0x4  }
0xba: {  	v63 =	vshll.u32 v3, $0x3  }
0xbb: {  	v3 =	vand.u32 $0x7, v3;
	v4 =	vand.u32 $0xFFFFFFC0, v63  }
0xbc: {  	v3 =	vor.u32 v3, v4  }
0xbd: {  	v4 =	vperm.xlane v3, v0;
	_ =	sdelay $0x1  }
0xbe: {  	v4 =	vadd.s32 v1, v4;
	_ =	sdelay $0x3  }
0xbf: {  	s19 =	simm.s32 $0xC080  }
0xc0: {  	[tilespmem:s19], [sflag:$0x1] =	stream.indirect_vreg.gather [hbm4b:s3+s2], $0x80, v4, vm0, $0xb8;
	[tilespmem:$0x10080] =	vst v63  }
0xc1: {  	v3 =	vperm.xlane v3, v2;
	s19 =	simm.s32 $0xC880  }
0xc2: {  	[tilespmem:s19], [sflag:$0x1] =	stream.indirect_vreg.gather [hbm4b:s4+s2], $0x80, v4, vm0, $0xb8;
	[tilespmem:$0x10080] =	vst v63  }
0xc3: {  	v3 =	vadd.s32 v1, v3;
	s19 =	simm.s32 $0xD080  }
0xc4: {  	[tilespmem:s19], [sflag:$0x1] =	stream.indirect_vreg.gather [hbm4b:s5+s2], $0x80, v4, vm0, $0xb8;
	[tilespmem:$0x10080] =	vst v63  }
0xc5: {  	s19 =	simm.s32 $0xD880  }
0xc6: {  	[tilespmem:s19], [sflag:$0x1] =	stream.indirect_vreg.gather [hbm4b:s6+s2], $0x80, v4, vm0, $0xb8;
	[tilespmem:$0x10080] =	vst v63  }
0xc7: {  	s19 =	simm.s32 $0xE080  }
0xc8: {  	[tilespmem:s19], [sflag:$0x1] =	stream.indirect_vreg.gather [hbm4b:s3+s2], $0x80, v3, vm0, $0xb8;
	[tilespmem:$0x10080] =	vst v63  }
0xc9: {  	s19 =	simm.s32 $0xE880  }
0xca: {  	[tilespmem:s19], [sflag:$0x1] =	stream.indirect_vreg.gather [hbm4b:s4+s2], $0x80, v3, vm0, $0xb8;
	[tilespmem:$0x10080] =	vst v63  }
0xcb: {  	s19 =	simm.s32 $0xF080  }
0xcc: {  	[tilespmem:s19], [sflag:$0x1] =	stream.indirect_vreg.gather [hbm4b:s5+s2], $0x80, v3, vm0, $0xb8;
	[tilespmem:$0x10080] =	vst v63  }
0xcd: {  	s19 =	simm.s32 $0xF880  }
0xce: {  	[tilespmem:s19], [sflag:$0x1] =	stream.indirect_vreg.gather [hbm4b:s6+s2], $0x80, v3, vm0, $0xb8;
	[tilespmem:$0x10080] =	vst v63  }
0xcf: {  	_ =	swait.ge [sflag:s18], $0x10000  }
0xd0: {  	p0 =	sne.s32 s7, $0x1;
	[sflag:s18] =	ssyncset.done $0x0  }
.Ltmp0:
0xd1: {  	s1 =	rddreg [dreg:$0x6];
	[sflag:s18] =	ssyncadd.s32 $0xFFFF0000;
	(pc) =	sbr.rel @p0 .LBB2_1-.Ltmp0, $4  }
0xd2: {  	[hbm4b:s1+s2] =	stream.linear.scatter [tilespmem:s0], [sflag:$0x2], $0x10000, $0x38;
	[tilespmem:$0x10080] =	vst v63  }
0xd3: {  	_ =	swait.ge [sflag:s8], $0x10000  }
0xd4: {  	[sflag:s8] =	ssyncset.done $0x0  }
0xd5: {  	s7 =	sadd.s32 $0xFFFFFFFF, s7;
	[sflag:s8] =	ssyncadd.s32 $0xFFFF0000  }
0xd6: {  	_ =	sfence.sel $0x180000  }
0xd7: {  	[bflag:$0x0] =	sbarrier.arrive $0xFFFF  }
0xd8: {  	_ =	strace $0x9000004A  }
0xd9: {  	s0 =	stileid.u32;
	[bflag:$0x2] =	sbarrier.arrive $0xFFFF  }
0xda: {  	p0 =	sne.s32 s0, $0x0;
	s0 =	rddreg [dreg:$0x2]  }
0xdb: {  	s0 =	sadd.s32 @!p0 $0x100000, s0  }
0xdc: {  	[sflag:s0] =	ssyncadd.tile.s32 @!p0 $0x1;
	_ =	shalt  }
.Lfunc_end2:
_tile_overlayer_lowered:
.L_overlay_start_2:
0xdd: {  	(tag) =	ssettag $0x2  }
0xde: {  	s0 =	rddreg [dreg:$0x0];
	s2 =	stileid.u32  }
0xdf: {  	s1 =	rddreg [dreg:$0x1];
	p0 =	sne.s32 s2, $0x0  }
0xe0: {  	s3 =	rddreg [dreg:$0x2];
	[bflag:$0x3] =	sbarrier.arrive $0xFFFF;
	s2 =	simm.s32 @!p0 $0x1C02  }
0xe1: {  	[timem:s3], [sflag:s2] =	dma.local @!p0 [hbm:s0], s1  }
0xe2: {  	s0 =	simm.s32 @!p0 $0x2  }
0xe3: {  	_ =	swait.ge @!p0 [sflag:s0], s1  }
0xe4: {  	s1 =	ssub.s32 @!p0 $0x0, s1;
	[sflag:s0] =	ssyncset.done @!p0 $0x0  }
0xe5: {  	[sflag:s0] =	ssyncadd.s32 @!p0 s1  }
0xe6: {  	[bflag:$0x3] =	sbarrier.arrive $0xFFFF  }
0xe7: {  	_ =	shalt  }

// kernel: kernel.7.cloned.1.call-start
scs
__scs_entry_jumppad:
0x0: {  	(pc) =	sbr.rel $0x88, $3  }
0x1: {  	(tag) =	ssettag $0x0;
	lr =	simm.s32 $0x1  }
0x2: {  	[smem:$0x3F9A] =	sst lr;
	_ =	strace $0xD0000000  }
0x3: {  	_ = 	snop  }
0x4: {  	_ = 	snop  }
0x5: {  	_ = 	snop  }
0x6: {  	_ = 	snop  }
0x7: {  	_ = 	snop  }
__scs_overlays_trampoline_lowered:
0x8: {  	[smem:$0x3FA9] =	sst s0  }
0x9: {  	[smem:$0x3FAA] =	sst s1  }
0xa: {  	[smem:$0x3FAB] =	sst s2  }
0xb: {  	[smem:$0x3FAC] =	sst s3  }
0xc: {  	[smem:$0x3FAD] =	sst s4  }
0xd: {  	[smem:$0x3FAE] =	sst s5  }
0xe: {  	[smem:$0x3FAF] =	sst s6  }
0xf: {  	[smem:$0x3FB0] =	sst s7  }
0x10: {  	[smem:$0x3FB1] =	sst s8  }
0x11: {  	[smem:$0x3FB2] =	sst s9;
	s0 =	simm.s32 @!p0 $0x0  }
0x12: {  	s1 =	sld [smem:$0x3F98];
	s0 =	simm.s32 @p0 $0x1  }
0x13: {  	[smem:$0x3FB3] =	sst s0;
	s0 =	simm.s32 @!p1 $0x0  }
0x14: {  	s2 =	sld [smem:$0x3F97];
	s0 =	simm.s32 @p1 $0x1  }
0x15: {  	[smem:$0x3FB4] =	sst s0;
	s0 =	simm.s32 @!p2 $0x0  }
0x16: {  	s3 =	sld [smem:$0x3FDB];
	s0 =	simm.s32 @p2 $0x1  }
0x17: {  	s4 =	simm.s32 $0x1BF5;
	[smem:$0x3FB6] =	sst s0  }
0x18: {  	s0 =	sld [smem:$0x3F99];
	_ =	swait.ge [sflag:s4], $0x0  }
0x19: {  	s7 =	sld [smem:$0x3F9A]  }
0x1a: {  	s8 =	sadd.s32 $0xFFFFE003, lr  }
0x1b: {  	s9 =	sadd.s32 $0xFFFFFEF7, lr;
	s5 =	simm.s32 $0xFFFFFFFF;
	p2 =	slt.u32 s8, $0xFFFFF086  }
0x1c: {  	p1 =	slt.u32 s9, $0xF7A;
	s5 =	simm.s32 @!p2 $0x0  }
0x1d: {  	s5 =	simm.s32 @p1 $0x1;
	p0 =	seq.s32 s7, s2  }
0x1e: {  	s7 =	smul.u32 @!p0 $0xF7A, s2;
	p2 =	seq.s32 @!p0 s5, $0x0  }
0x1f: {  	s9 =	smul.u32 $0xF7A, s1;
	s8 =	simm.s32 @!p0 $0x1BF5;
	p2 =	por !p2, p0  }
0x20: {  	[sflag:s8] =	ssyncset.s32 @!p0 $0xFFFFF086;
	s6 =	sadd.s32 @!p0 s3, s7;
	s7 =	simm.s32 @!p0 $0x108  }
0x21: {  	s3 =	sadd.s32 s3, s9;
	s6 =	sadd.s32 @!p0 $0x88, s6;
	s7 =	simm.s32 @p2 $0x1082  }
0x22: {  	[simem:s7], [sflag:s8] =	dma.local @!p0 [hbm:s6], $0xF7A  }
0x23: {  	s9 =	sor.u32 $0xD0000000, s2;
	s6 =	simm.s32 $0x108;
	_ =	swait.ge @!p0 [sflag:s8], $0x0  }
0x24: {  	s3 =	sadd.s32 $0x88, s3;
	s6 =	simm.s32 @!p1 $0x1082;
	[sflag:s4] =	ssyncset.s32 $0xFFFFF086  }
0x25: {  	[simem:s6], [sflag:s4] =	dma.local [hbm:s3], $0xF7A  }
0x26: {  	[smem:$0x3F9A] =	sst s1;
	(tag) =	ssettag s2;
	_ =	strace s9  }
0x27: {  	s1 =	sld [smem:$0x3FAA]  }
0x28: {  	s2 =	sld [smem:$0x3FAB]  }
0x29: {  	s4 =	sld [smem:$0x3FAD]  }
0x2a: {  	p0 =	seq.s32 s5, $0x0;
	s5 =	sld [smem:$0x3FAE]  }
0x2b: {  	s6 =	sld [smem:$0x3FAF]  }
0x2c: {  	s7 =	sld [smem:$0x3FB0]  }
0x2d: {  	s3 =	simm.s32 $0x108;
	s8 =	sld [smem:$0x3FB1]  }
0x2e: {  	s3 =	simm.s32 @!p0 $0x1082;
	s9 =	sld [smem:$0x3FB2]  }
0x2f: {  	lr =	sadd.s32 s0, s3;
	s0 =	sld [smem:$0x3FA9]  }
0x30: {  	s3 =	sld [smem:$0x3FAC]  }
0x31: {  	[smem:$0x3FB5] =	sst s10  }
0x32: {  	s10 =	sld [smem:$0x3FB3];
	_ =	sdelay $0x3  }
0x33: {  	p0 =	seq.s32 s10, $0x1;
	s10 =	sld [smem:$0x3FB5];
	_ =	sdelay $0x3  }
0x34: {  	[smem:$0x3FB5] =	sst s10  }
0x35: {  	s10 =	sld [smem:$0x3FB4];
	_ =	sdelay $0x3  }
0x36: {  	p1 =	seq.s32 s10, $0x1;
	s10 =	sld [smem:$0x3FB5];
	_ =	sdelay $0x3  }
0x37: {  	[smem:$0x3FB5] =	sst s10  }
0x38: {  	s10 =	sld [smem:$0x3FB6]  }
0x39: {  	_ = 	snop;
	(pc) =	sbr.ind lr, $3  }
0x3a: {  	_ = 	snop  }
0x3b: {  	_ = 	snop  }
0x3c: {  	p2 =	seq.s32 s10, $0x1;
	s10 =	sld [smem:$0x3FB5]  }
0x3d: {  	_ =	shalt  }
0x3e: {  	_ =	shalt  }
0x3f: {  	_ =	shalt  }
0x40: {  	_ =	shalt  }
0x41: {  	_ =	shalt  }
0x42: {  	_ =	shalt  }
0x43: {  	_ =	shalt  }
0x44: {  	_ =	shalt  }
0x45: {  	_ =	shalt  }
0x46: {  	_ =	shalt  }
0x47: {  	_ =	shalt  }
0x48: {  	_ =	shalt  }
0x49: {  	_ =	shalt  }
0x4a: {  	_ =	shalt  }
0x4b: {  	_ =	shalt  }
0x4c: {  	_ =	shalt  }
0x4d: {  	_ =	shalt  }
0x4e: {  	_ =	shalt  }
0x4f: {  	_ =	shalt  }
0x50: {  	_ =	shalt  }
0x51: {  	_ =	shalt  }
0x52: {  	_ =	shalt  }
0x53: {  	_ =	shalt  }
0x54: {  	_ =	shalt  }
0x55: {  	_ =	shalt  }
0x56: {  	_ =	shalt  }
0x57: {  	_ =	shalt  }
0x58: {  	_ =	shalt  }
0x59: {  	_ =	shalt  }
0x5a: {  	_ =	shalt  }
0x5b: {  	_ =	shalt  }
0x5c: {  	_ =	shalt  }
0x5d: {  	_ =	shalt  }
0x5e: {  	_ =	shalt  }
0x5f: {  	_ =	shalt  }
0x60: {  	_ =	shalt  }
0x61: {  	_ =	shalt  }
0x62: {  	_ =	shalt  }
0x63: {  	_ =	shalt  }
0x64: {  	_ =	shalt  }
0x65: {  	_ =	shalt  }
0x66: {  	_ =	shalt  }
0x67: {  	_ =	shalt  }
0x68: {  	_ =	shalt  }
0x69: {  	_ =	shalt  }
0x6a: {  	_ =	shalt  }
0x6b: {  	_ =	shalt  }
0x6c: {  	_ =	shalt  }
0x6d: {  	_ =	shalt  }
0x6e: {  	_ =	shalt  }
0x6f: {  	_ =	shalt  }
0x70: {  	_ =	shalt  }
0x71: {  	_ =	shalt  }
0x72: {  	_ =	shalt  }
0x73: {  	_ =	shalt  }
0x74: {  	_ =	shalt  }
0x75: {  	_ =	shalt  }
0x76: {  	_ =	shalt  }
0x77: {  	_ =	shalt  }
0x78: {  	_ =	shalt  }
0x79: {  	_ =	shalt  }
0x7a: {  	_ =	shalt  }
0x7b: {  	_ =	shalt  }
0x7c: {  	_ =	shalt  }
0x7d: {  	_ =	shalt  }
0x7e: {  	_ =	shalt  }
0x7f: {  	_ =	shalt  }
0x80: {  	_ =	shalt  }
0x81: {  	_ =	shalt  }
0x82: {  	_ =	shalt  }
0x83: {  	_ =	shalt  }
0x84: {  	_ =	shalt  }
0x85: {  	_ =	shalt  }
0x86: {  	_ =	shalt  }
0x87: {  	_ =	shalt  }
.Lfunc_end0:
.L_simem_size_0:
called_computation_lowered:
.L_overlay_start_0:
0x88: {  	s2 =	sld [smem:$0x3FD9]  }
0x89: {  	s3 =	sld [smem:$0x3FFE];
	_ =	sdelay $0x1  }
0x8a: {  	s1 =	srdreg.scid  }
0x8b: {  	s0 =	sand.u32 $0x1, s1  }
0x8c: {  	s17 =	sshll.u32 s0, $0xA;
	s2 =	sadd.s32 s3, s2  }
0x8d: {  	s2 =	sadd.s32 s2, s17  }
0x8e: {  	[smem:$0x3FC1] =	sst s2  }
0x8f: {  	_ = 	snop  }
0x90: {  	s2 =	sld [smem:$0x3FC9]  }
0x91: {  	s18 =	sld [smem:$0x3FD0];
	(tm) =	ssettm $0x1  }
0x92: {  	s4 =	sld [smem:$0x3FFB];
	_ =	sdelay $0x3  }
0x93: {  	_ =	strace s4  }
0x94: {  	s4 =	sld [smem:$0x3FFC];
	_ =	sdelay $0x3  }
0x95: {  	_ =	strace s4  }
0x96: {  	s4 =	sld [smem:$0x3FFD];
	_ =	sdelay $0x3  }
0x97: {  	_ =	strace s4  }
0x98: {  	_ =	strace $0x8FFFFFFF  }
0x99: {  	s19 =	sld [smem:$0x3FDB];
	_ =	sdelay $0x1  }
0x9a: {  	s5 =	simm.s32 $_scs_section_size  }
0x9b: {  	s6 =	simm.s32 $_size__tile_overlayer_lowered;
	s7 =	simm.s32 $_tile_overlayer_lowered  }
0x9c: {  	s22 =	simm.s32 $0x1BFF;
	s21 =	sshll.u32 s7, $0x1;
	s4 =	sadd.s32 s5, s19  }
0x9d: {  	s8 =	simm.s32 $0x0;
	s20 =	sshll.u32 s6, $0x1;
	s6 =	sadd.s32 s21, s4  }
0x9e: {  	[timem:s8], [sflag:s22] =	dma.local [hbm:s6], s20  }
0x9f: {  	_ =	swait.ge [sflag:s22], s20  }
0xa0: {  	s5 =	ssub.s32 $0x0, s20;
	[sflag:s22] =	ssyncset.done $0x0  }
0xa1: {  	[sflag:s22] =	ssyncadd.s32 s5;
	_ =	sdelay $0x1  }
0xa2: {  	s23 =	simm.s32 $0x1B8B  }
0xa3: {  	_ =	swait.ge [sflag:s23], $0x1  }
0xa4: {  	[sflag:s23] =	ssyncset.done $0x0  }
0xa5: {  	s25 =	simm.s32 $0x1B8E;
	s24 =	sld [smem:$0x3FFE];
	[sflag:s23] =	ssyncadd.s32 $0xFFFFFFFF  }
0xa6: {  	s26 =	simm.s32 $execute0_lowered;
	[smem:$0x3FD2] =	sst s25  }
0xa7: {  	s6 =	sshll.u32 s26, $0x1;
	_ =	strace $0x80000046;
	[dreg:$0x1] =	wrdreg $0xFFFFFFFF  }
0xa8: {  	s28 =	simm.s32 $_size_execute0_lowered;
	s4 =	sadd.s32 s4, s6;
	[dreg:$0x0] =	wrdreg $0x0  }
0xa9: {  	s6 =	sshll.u32 s28, $0x1;
	[dreg:$0x2] =	wrdreg s4  }
0xaa: {  	[dreg:$0x3] =	wrdreg s6  }
0xab: {  	[dreg:$0x4] =	wrdreg $0xC0  }
0xac: {  	_ =	task [dreg:s8], $0x5FFFF  }
0xad: {  	[dreg:$0x1] =	wrdreg $0xFFFFFFFF  }
0xae: {  	[dreg:$0x0] =	wrdreg $0x60  }
0xaf: {  	[dreg:$0x2] =	wrdreg s2  }
0xb0: {  	[dreg:$0x3] =	wrdreg s24  }
0xb1: {  	[dreg:$0x4] =	wrdreg s18  }
0xb2: {  	[dreg:$0x5] =	wrdreg $0x9  }
0xb3: {  	_ =	task.clear_ibuf [dreg:s8], $0x6FFFF;
	_ =	strace $0x90000046  }
0xb4: {  	s29 =	simm.s32 $0x9;
	_ =	strace $0x80000048  }
0xb5: {  	_ =	swait.ge [sflag:s29], $0x1  }
0xb6: {  	[sflag:s29] =	ssyncadd.s32 $0xFFFFFFFF  }
0xb7: {  	_ =	strace $0x90000048  }
0xb8: {  	_ =	sfence  }
0xb9: {  	s30 =	sld [smem:$0x0];
	_ =	sdelay $0x2  }
0xba: {  	s31 =	sshll.u32 s1, $0xD;
	s1 =	sshrl.u32 s1, $0x2  }
0xbb: {  	s3 =	sand.u32 $0x4000, s31;
	s1 =	sadd.s32 s1, s30  }
0xbc: {  	s0 =	sor.u32 s3, s0;
	s1 =	sshll.u32 s1, $0x11  }
0xbd: {  	s0 =	sor.u32 s1, s0  }
0xbe: {  	s0 =	sadd.s32 $0x8F2B, s0  }
0xbf: {  	[sflag:s0] =	ssyncadd.remote.s32 $0x1  }
0xc0: {  	_ =	sfence.sel $0xFFFF  }
0xc1: {  	[dreg:$0x0] =	wrdreg $0xFFFFFFFF;
	(pc) =	sbr.abs _section_cstart, $3  }
0xc2: {  	[dreg:$0x1] =	wrdreg $0xFFFFFFFF  }
0xc3: {  	_ =	task.clear_ibuf [dreg:s8], $0x2FFFF;
	_ =	strace $0x9FFFFFFF  }
0xc4: {  	(tm) =	ssettm $0x7FFFFFFF  }
0xc5: {  	_ =	shalt  }
tec
execute0_lowered:
.L_overlay_start_1:
0x0: {  	(tag) =	ssettag $0x1  }
0x1: {  	s0 =	rddreg [dreg:$0x0]  }
0x2: {  	s1 =	rddreg [dreg:$0x1]  }
0x3: {  	s2 =	rddreg [dreg:$0x2];
	s4 =	srdreg.scid  }
0x4: {  	s3 =	simm.s32 $0x0;
	s5 =	stileid.u32;
	s18 =	simm.s32 $0x1  }
0x5: {  	s28 =	simm.s32 $0x4080;
	s29 =	simm.s32 $0x4880;
	s30 =	simm.s32 $0x5080  }
0x6: {  	s31 =	simm.s32 $0x5880;
	s10 =	simm.s32 $0x7080;
	s11 =	simm.s32 $0x7880  }
0x7: {  	s12 =	simm.s32 $0x8080;
	s13 =	simm.s32 $0x8880;
	s14 =	simm.s32 $0x9080  }
0x8: {  	s15 =	simm.s32 $0x9880;
	s16 =	simm.s32 $0xA080;
	s17 =	simm.s32 $0xA880  }
0x9: {  	s9 =	simm.s32 $0xB080;
	s4 =	sand.u32 $0x1, s4;
	[smem:$0x7FF] =	sst s3  }
0xa: {  	s5 =	sshll.u32 s5, $0x8;
	s1 =	sadd.s32 $0x1600, s1;
	s6 =	sshll.u32 s4, $0x7  }
0xb: {  	_ =	strace $0x80000047;
	s4 =	ssub.s32 $0x2, s4;
	s5 =	sor.u32 s6, s5  }
0xc: {  	s20 =	sshrl.u32 s4, $0x1;
	s6 =	sadd.s32 $0x300, s2;
	s7 =	sshrl.u32 s5, $0x3  }
0xd: {  	s8 =	ssub.s32 s4, s20;
	s22 =	sshll.u32 s5, $0x7;
	s24 =	sor.u32 $0x40, s5  }
0xe: {  	s4 =	sadd.s32 $0x100, s2;
	s5 =	sadd.s32 $0x200, s2;
	s20 =	simm.s32 $0x880  }
0xf: {  	s21 =	sadd.s32 s1, s7;
	s23 =	sadd.s32 s0, s22;
	s25 =	sshrl.u32 s24, $0x3  }
0x10: {  	s26 =	sshll.u32 s24, $0x7;
	s7 =	smax.u32 s8, $0x1;
	s8 =	simm.s32 $0x2  }
0x11: {  	s22 =	simm.s32 $0x1880;
	s24 =	simm.s32 $0x2880;
	[dreg:$0x4] =	wrdreg s21  }
0x12: {  	v2 =	vlaneseq.u32;
	[dreg:$0x5] =	wrdreg s23;
	s1 =	sadd.s32 s1, s25;
	s0 =	sadd.s32 s0, s26  }
0x13: {  	vm0 =	vmmov $0xffff;
	v1 =	vshrl.u32 v2, $0x3;
	s21 =	simm.s32 $0x1080;
	s23 =	simm.s32 $0x2080;
	[dreg:$0x6] =	wrdreg s1  }
0x14: {  	v0 =	vand.u32 $0x7, v2;
	v2 =	vor.u32 $0x8, v2;
	v1 =	vmul.u32 $0x8, v1;
	s25 =	simm.s32 $0x3080;
	s26 =	simm.s32 $0x3880;
	[dreg:$0x7] =	wrdreg s0  }
.LBB2_1:
0x15: {  	s19 =	rddreg [dreg:$0x4]  }
0x16: {  	[tilespmem:s3], [sflag:$0x2] =	stream.linear.gather [hbm4b:s19+s3], $0x40, $0x38;
	[tilespmem:$0x10080] =	vst v63  }
0x17: {  	_ =	swait.ge [sflag:s8], $0x40  }
0x18: {  	[sflag:s8] =	ssyncset.done $0x0  }
0x19: {  	s0 =	simm.s32 $0x80;
	s1 =	rddreg [dreg:$0x5];
	[sflag:s8] =	ssyncadd.s32 $0xFFFFFFC0  }
0x1a: {  	[tilespmem:s0], [sflag:$0x2] =	stream.linear.gather [hbm4b:s1+s3], $0x10000, $0x38;
	[tilespmem:$0x10080] =	vst v63  }
0x1b: {  	_ =	swait.ge [sflag:s8], $0x10000  }
0x1c: {  	[sflag:s8] =	ssyncset.done $0x0  }
0x1d: {  	[sflag:s8] =	ssyncadd.s32 $0xFFFF0000  }
0x1e: {  	v3 =	vld [tilespmem:$0x0];
	_ =	sdelay $0x4  }
0x1f: {  	v4 =	vshll.u32 v3, $0x3  }
0x20: {  	v3 =	vand.u32 $0x7, v3;
	v4 =	vand.u32 $0xFFFFFFC0, v4  }
0x21: {  	v3 =	vor.u32 v3, v4  }
0x22: {  	v4 =	vperm.xlane v3, v0;
	_ =	sdelay $0x1  }
0x23: {  	v4 =	vadd.s32 v1, v4;
	_ =	sdelay $0x4  }
0x24: {  	[hbm4b:s2+s3] =	stream.indirect_vreg.scatter [tilespmem:s0], [sflag:$0x1], $0x80, v4, vm0, $0xb8;
	[tilespmem:$0x10080] =	vst v63  }
0x25: {  	v3 =	vperm.xlane v3, v2  }
0x26: {  	[hbm4b:s4+s3] =	stream.indirect_vreg.scatter [tilespmem:s20], [sflag:$0x1], $0x80, v4, vm0, $0xb8;
	[tilespmem:$0x10080] =	vst v63  }
0x27: {  	v3 =	vadd.s32 v1, v3  }
0x28: {  	[hbm4b:s5+s3] =	stream.indirect_vreg.scatter [tilespmem:s21], [sflag:$0x1], $0x80, v4, vm0, $0xb8;
	[tilespmem:$0x10080] =	vst v63  }
0x29: {  	_ = 	snop  }
0x2a: {  	[hbm4b:s6+s3] =	stream.indirect_vreg.scatter [tilespmem:s22], [sflag:$0x1], $0x80, v4, vm0, $0xb8;
	[tilespmem:$0x10080] =	vst v63  }
0x2b: {  	_ = 	snop  }
0x2c: {  	[hbm4b:s2+s3] =	stream.indirect_vreg.scatter [tilespmem:s23], [sflag:$0x1], $0x80, v3, vm0, $0xb8;
	[tilespmem:$0x10080] =	vst v63  }
0x2d: {  	_ = 	snop  }
0x2e: {  	[hbm4b:s4+s3] =	stream.indirect_vreg.scatter [tilespmem:s24], [sflag:$0x1], $0x80, v3, vm0, $0xb8;
	[tilespmem:$0x10080] =	vst v63  }
0x2f: {  	_ = 	snop  }
0x30: {  	[hbm4b:s5+s3] =	stream.indirect_vreg.scatter [tilespmem:s25], [sflag:$0x1], $0x80, v3, vm0, $0xb8;
	[tilespmem:$0x10080] =	vst v63  }
0x31: {  	_ = 	snop  }
0x32: {  	[hbm4b:s6+s3] =	stream.indirect_vreg.scatter [tilespmem:s26], [sflag:$0x1], $0x80, v3, vm0, $0xb8;
	[tilespmem:$0x10080] =	vst v63  }
0x33: {  	v3 =	vld [tilespmem:$0x10];
	_ =	sdelay $0x4  }
0x34: {  	v57 =	vshll.u32 v3, $0x3  }
0x35: {  	v3 =	vand.u32 $0x7, v3;
	v4 =	vand.u32 $0xFFFFFFC0, v57  }
0x36: {  	v3 =	vor.u32 v3, v4  }
0x37: {  	v4 =	vperm.xlane v3, v0;
	_ =	sdelay $0x1  }
0x38: {  	v4 =	vadd.s32 v1, v4;
	_ =	sdelay $0x4  }
0x39: {  	[hbm4b:s2+s3] =	stream.indirect_vreg.scatter [tilespmem:s28], [sflag:$0x1], $0x80, v4, vm0, $0xb8;
	[tilespmem:$0x10080] =	vst v63  }
0x3a: {  	v3 =	vperm.xlane v3, v2  }
0x3b: {  	[hbm4b:s4+s3] =	stream.indirect_vreg.scatter [tilespmem:s29], [sflag:$0x1], $0x80, v4, vm0, $0xb8;
	[tilespmem:$0x10080] =	vst v63  }
0x3c: {  	v3 =	vadd.s32 v1, v3  }
0x3d: {  	[hbm4b:s5+s3] =	stream.indirect_vreg.scatter [tilespmem:s30], [sflag:$0x1], $0x80, v4, vm0, $0xb8;
	[tilespmem:$0x10080] =	vst v63  }
0x3e: {  	_ = 	snop  }
0x3f: {  	[hbm4b:s6+s3] =	stream.indirect_vreg.scatter [tilespmem:s31], [sflag:$0x1], $0x80, v4, vm0, $0xb8;
	[tilespmem:$0x10080] =	vst v63  }
0x40: {  	s1 =	simm.s32 $0x6080  }
0x41: {  	[hbm4b:s2+s3] =	stream.indirect_vreg.scatter [tilespmem:s1], [sflag:$0x1], $0x80, v3, vm0, $0xb8;
	[tilespmem:$0x10080] =	vst v63  }
0x42: {  	s1 =	simm.s32 $0x6880  }
0x43: {  	[hbm4b:s4+s3] =	stream.indirect_vreg.scatter [tilespmem:s1], [sflag:$0x1], $0x80, v3, vm0, $0xb8;
	[tilespmem:$0x10080] =	vst v63  }
0x44: {  	_ = 	snop  }
0x45: {  	[hbm4b:s5+s3] =	stream.indirect_vreg.scatter [tilespmem:s10], [sflag:$0x1], $0x80, v3, vm0, $0xb8;
	[tilespmem:$0x10080] =	vst v63  }
0x46: {  	_ = 	snop  }
0x47: {  	[hbm4b:s6+s3] =	stream.indirect_vreg.scatter [tilespmem:s11], [sflag:$0x1], $0x80, v3, vm0, $0xb8;
	[tilespmem:$0x10080] =	vst v63  }
0x48: {  	v3 =	vld [tilespmem:$0x20];
	_ =	sdelay $0x4  }
0x49: {  	v58 =	vshll.u32 v3, $0x3  }
0x4a: {  	v3 =	vand.u32 $0x7, v3;
	v4 =	vand.u32 $0xFFFFFFC0, v58  }
0x4b: {  	v3 =	vor.u32 v3, v4  }
0x4c: {  	v4 =	vperm.xlane v3, v0;
	_ =	sdelay $0x1  }
0x4d: {  	v4 =	vadd.s32 v1, v4;
	_ =	sdelay $0x4  }
0x4e: {  	[hbm4b:s2+s3] =	stream.indirect_vreg.scatter [tilespmem:s12], [sflag:$0x1], $0x80, v4, vm0, $0xb8;
	[tilespmem:$0x10080] =	vst v63  }
0x4f: {  	v3 =	vperm.xlane v3, v2  }
0x50: {  	[hbm4b:s4+s3] =	stream.indirect_vreg.scatter [tilespmem:s13], [sflag:$0x1], $0x80, v4, vm0, $0xb8;
	[tilespmem:$0x10080] =	vst v63  }
0x51: {  	v3 =	vadd.s32 v1, v3  }
0x52: {  	[hbm4b:s5+s3] =	stream.indirect_vreg.scatter [tilespmem:s14], [sflag:$0x1], $0x80, v4, vm0, $0xb8;
	[tilespmem:$0x10080] =	vst v63  }
0x53: {  	_ = 	snop  }
0x54: {  	[hbm4b:s6+s3] =	stream.indirect_vreg.scatter [tilespmem:s15], [sflag:$0x1], $0x80, v4, vm0, $0xb8;
	[tilespmem:$0x10080] =	vst v63  }
0x55: {  	_ = 	snop  }
0x56: {  	[hbm4b:s2+s3] =	stream.indirect_vreg.scatter [tilespmem:s16], [sflag:$0x1], $0x80, v3, vm0, $0xb8;
	[tilespmem:$0x10080] =	vst v63  }
0x57: {  	_ = 	snop  }
0x58: {  	[hbm4b:s4+s3] =	stream.indirect_vreg.scatter [tilespmem:s17], [sflag:$0x1], $0x80, v3, vm0, $0xb8;
	[tilespmem:$0x10080] =	vst v63  }
0x59: {  	_ = 	snop  }
0x5a: {  	[hbm4b:s5+s3] =	stream.indirect_vreg.scatter [tilespmem:s9], [sflag:$0x1], $0x80, v3, vm0, $0xb8;
	[tilespmem:$0x10080] =	vst v63  }
0x5b: {  	s19 =	simm.s32 $0xB880  }
0x5c: {  	[hbm4b:s6+s3] =	stream.indirect_vreg.scatter [tilespmem:s19], [sflag:$0x1], $0x80, v3, vm0, $0xb8;
	[tilespmem:$0x10080] =	vst v63  }
0x5d: {  	v3 =	vld [tilespmem:$0x30];
	_ =	sdelay $0x4  }
0x5e: {  	v59 =	vshll.u32 v3, $0x3  }
0x5f: {  	v3 =	vand.u32 $0x7, v3;
	v4 =	vand.u32 $0xFFFFFFC0, v59  }
0x60: {  	v3 =	vor.u32 v3, v4  }
0x61: {  	v4 =	vperm.xlane v3, v0;
	_ =	sdelay $0x1  }
0x62: {  	v4 =	vadd.s32 v1, v4;
	_ =	sdelay $0x3  }
0x63: {  	s19 =	simm.s32 $0xC080  }
0x64: {  	[hbm4b:s2+s3] =	stream.indirect_vreg.scatter [tilespmem:s19], [sflag:$0x1], $0x80, v4, vm0, $0xb8;
	[tilespmem:$0x10080] =	vst v63  }
0x65: {  	v3 =	vperm.xlane v3, v2;
	s19 =	simm.s32 $0xC880  }
0x66: {  	[hbm4b:s4+s3] =	stream.indirect_vreg.scatter [tilespmem:s19], [sflag:$0x1], $0x80, v4, vm0, $0xb8;
	[tilespmem:$0x10080] =	vst v63  }
0x67: {  	v3 =	vadd.s32 v1, v3;
	s19 =	simm.s32 $0xD080  }
0x68: {  	[hbm4b:s5+s3] =	stream.indirect_vreg.scatter [tilespmem:s19], [sflag:$0x1], $0x80, v4, vm0, $0xb8;
	[tilespmem:$0x10080] =	vst v63  }
0x69: {  	s19 =	simm.s32 $0xD880  }
0x6a: {  	[hbm4b:s6+s3] =	stream.indirect_vreg.scatter [tilespmem:s19], [sflag:$0x1], $0x80, v4, vm0, $0xb8;
	[tilespmem:$0x10080] =	vst v63  }
0x6b: {  	s19 =	simm.s32 $0xE080  }
0x6c: {  	[hbm4b:s2+s3] =	stream.indirect_vreg.scatter [tilespmem:s19], [sflag:$0x1], $0x80, v3, vm0, $0xb8;
	[tilespmem:$0x10080] =	vst v63  }
0x6d: {  	s19 =	simm.s32 $0xE880  }
0x6e: {  	[hbm4b:s4+s3] =	stream.indirect_vreg.scatter [tilespmem:s19], [sflag:$0x1], $0x80, v3, vm0, $0xb8;
	[tilespmem:$0x10080] =	vst v63  }
0x6f: {  	s19 =	simm.s32 $0xF080  }
0x70: {  	[hbm4b:s5+s3] =	stream.indirect_vreg.scatter [tilespmem:s19], [sflag:$0x1], $0x80, v3, vm0, $0xb8;
	[tilespmem:$0x10080] =	vst v63  }
0x71: {  	s19 =	simm.s32 $0xF880  }
0x72: {  	[hbm4b:s6+s3] =	stream.indirect_vreg.scatter [tilespmem:s19], [sflag:$0x1], $0x80, v3, vm0, $0xb8;
	[tilespmem:$0x10080] =	vst v63  }
0x73: {  	_ =	swait.ge [sflag:s18], $0x10000  }
0x74: {  	[sflag:s18] =	ssyncset.done $0x0  }
0x75: {  	s19 =	rddreg [dreg:$0x6];
	[sflag:s18] =	ssyncadd.s32 $0xFFFF0000  }
0x76: {  	[tilespmem:s3], [sflag:$0x2] =	stream.linear.gather [hbm4b:s19+s3], $0x40, $0x38;
	[tilespmem:$0x10080] =	vst v63  }
0x77: {  	_ =	swait.ge [sflag:s8], $0x40  }
0x78: {  	[sflag:s8] =	ssyncset.done $0x0  }
0x79: {  	s19 =	rddreg [dreg:$0x7];
	[sflag:s8] =	ssyncadd.s32 $0xFFFFFFC0  }
0x7a: {  	[tilespmem:s0], [sflag:$0x2] =	stream.linear.gather [hbm4b:s19+s3], $0x10000, $0x38;
	[tilespmem:$0x10080] =	vst v63  }
0x7b: {  	_ =	swait.ge [sflag:s8], $0x10000  }
0x7c: {  	[sflag:s8] =	ssyncset.done $0x0  }
0x7d: {  	[sflag:s8] =	ssyncadd.s32 $0xFFFF0000  }
0x7e: {  	v3 =	vld [tilespmem:$0x0];
	_ =	sdelay $0x4  }
0x7f: {  	v60 =	vshll.u32 v3, $0x3  }
0x80: {  	v3 =	vand.u32 $0x7, v3;
	v4 =	vand.u32 $0xFFFFFFC0, v60  }
0x81: {  	v3 =	vor.u32 v3, v4  }
0x82: {  	v4 =	vperm.xlane v3, v0;
	_ =	sdelay $0x1  }
0x83: {  	v4 =	vadd.s32 v1, v4;
	_ =	sdelay $0x4  }
0x84: {  	[hbm4b:s2+s3] =	stream.indirect_vreg.scatter [tilespmem:s0], [sflag:$0x1], $0x80, v4, vm0, $0xb8;
	[tilespmem:$0x10080] =	vst v63  }
0x85: {  	v3 =	vperm.xlane v3, v2  }
0x86: {  	[hbm4b:s4+s3] =	stream.indirect_vreg.scatter [tilespmem:s20], [sflag:$0x1], $0x80, v4, vm0, $0xb8;
	[tilespmem:$0x10080] =	vst v63  }
0x87: {  	v3 =	vadd.s32 v1, v3  }
0x88: {  	[hbm4b:s5+s3] =	stream.indirect_vreg.scatter [tilespmem:s21], [sflag:$0x1], $0x80, v4, vm0, $0xb8;
	[tilespmem:$0x10080] =	vst v63  }
0x89: {  	_ = 	snop  }
0x8a: {  	[hbm4b:s6+s3] =	stream.indirect_vreg.scatter [tilespmem:s22], [sflag:$0x1], $0x80, v4, vm0, $0xb8;
	[tilespmem:$0x10080] =	vst v63  }
0x8b: {  	_ = 	snop  }
0x8c: {  	[hbm4b:s2+s3] =	stream.indirect_vreg.scatter [tilespmem:s23], [sflag:$0x1], $0x80, v3, vm0, $0xb8;
	[tilespmem:$0x10080] =	vst v63  }
0x8d: {  	_ = 	snop  }
0x8e: {  	[hbm4b:s4+s3] =	stream.indirect_vreg.scatter [tilespmem:s24], [sflag:$0x1], $0x80, v3, vm0, $0xb8;
	[tilespmem:$0x10080] =	vst v63  }
0x8f: {  	_ = 	snop  }
0x90: {  	[hbm4b:s5+s3] =	stream.indirect_vreg.scatter [tilespmem:s25], [sflag:$0x1], $0x80, v3, vm0, $0xb8;
	[tilespmem:$0x10080] =	vst v63  }
0x91: {  	_ = 	snop  }
0x92: {  	[hbm4b:s6+s3] =	stream.indirect_vreg.scatter [tilespmem:s26], [sflag:$0x1], $0x80, v3, vm0, $0xb8;
	[tilespmem:$0x10080] =	vst v63  }
0x93: {  	v3 =	vld [tilespmem:$0x10];
	_ =	sdelay $0x4  }
0x94: {  	v61 =	vshll.u32 v3, $0x3  }
0x95: {  	v3 =	vand.u32 $0x7, v3;
	v4 =	vand.u32 $0xFFFFFFC0, v61  }
0x96: {  	v3 =	vor.u32 v3, v4  }
0x97: {  	v4 =	vperm.xlane v3, v0;
	_ =	sdelay $0x1  }
0x98: {  	v4 =	vadd.s32 v1, v4;
	_ =	sdelay $0x4  }
0x99: {  	[hbm4b:s2+s3] =	stream.indirect_vreg.scatter [tilespmem:s28], [sflag:$0x1], $0x80, v4, vm0, $0xb8;
	[tilespmem:$0x10080] =	vst v63  }
0x9a: {  	v3 =	vperm.xlane v3, v2  }
0x9b: {  	[hbm4b:s4+s3] =	stream.indirect_vreg.scatter [tilespmem:s29], [sflag:$0x1], $0x80, v4, vm0, $0xb8;
	[tilespmem:$0x10080] =	vst v63  }
0x9c: {  	v3 =	vadd.s32 v1, v3  }
0x9d: {  	[hbm4b:s5+s3] =	stream.indirect_vreg.scatter [tilespmem:s30], [sflag:$0x1], $0x80, v4, vm0, $0xb8;
	[tilespmem:$0x10080] =	vst v63  }
0x9e: {  	_ = 	snop  }
0x9f: {  	[hbm4b:s6+s3] =	stream.indirect_vreg.scatter [tilespmem:s31], [sflag:$0x1], $0x80, v4, vm0, $0xb8;
	[tilespmem:$0x10080] =	vst v63  }
0xa0: {  	s19 =	simm.s32 $0x6080  }
0xa1: {  	[hbm4b:s2+s3] =	stream.indirect_vreg.scatter [tilespmem:s19], [sflag:$0x1], $0x80, v3, vm0, $0xb8;
	[tilespmem:$0x10080] =	vst v63  }
0xa2: {  	_ = 	snop  }
0xa3: {  	[hbm4b:s4+s3] =	stream.indirect_vreg.scatter [tilespmem:s1], [sflag:$0x1], $0x80, v3, vm0, $0xb8;
	[tilespmem:$0x10080] =	vst v63  }
0xa4: {  	_ = 	snop  }
0xa5: {  	[hbm4b:s5+s3] =	stream.indirect_vreg.scatter [tilespmem:s10], [sflag:$0x1], $0x80, v3, vm0, $0xb8;
	[tilespmem:$0x10080] =	vst v63  }
0xa6: {  	_ = 	snop  }
0xa7: {  	[hbm4b:s6+s3] =	stream.indirect_vreg.scatter [tilespmem:s11], [sflag:$0x1], $0x80, v3, vm0, $0xb8;
	[tilespmem:$0x10080] =	vst v63  }
0xa8: {  	v3 =	vld [tilespmem:$0x20];
	_ =	sdelay $0x4  }
0xa9: {  	v62 =	vshll.u32 v3, $0x3  }
0xaa: {  	v3 =	vand.u32 $0x7, v3;
	v4 =	vand.u32 $0xFFFFFFC0, v62  }
0xab: {  	v3 =	vor.u32 v3, v4  }
0xac: {  	v4 =	vperm.xlane v3, v0;
	_ =	sdelay $0x1  }
0xad: {  	v4 =	vadd.s32 v1, v4;
	_ =	sdelay $0x4  }
0xae: {  	[hbm4b:s2+s3] =	stream.indirect_vreg.scatter [tilespmem:s12], [sflag:$0x1], $0x80, v4, vm0, $0xb8;
	[tilespmem:$0x10080] =	vst v63  }
0xaf: {  	v3 =	vperm.xlane v3, v2  }
0xb0: {  	[hbm4b:s4+s3] =	stream.indirect_vreg.scatter [tilespmem:s13], [sflag:$0x1], $0x80, v4, vm0, $0xb8;
	[tilespmem:$0x10080] =	vst v63  }
0xb1: {  	v3 =	vadd.s32 v1, v3  }
0xb2: {  	[hbm4b:s5+s3] =	stream.indirect_vreg.scatter [tilespmem:s14], [sflag:$0x1], $0x80, v4, vm0, $0xb8;
	[tilespmem:$0x10080] =	vst v63  }
0xb3: {  	_ = 	snop  }
0xb4: {  	[hbm4b:s6+s3] =	stream.indirect_vreg.scatter [tilespmem:s15], [sflag:$0x1], $0x80, v4, vm0, $0xb8;
	[tilespmem:$0x10080] =	vst v63  }
0xb5: {  	_ = 	snop  }
0xb6: {  	[hbm4b:s2+s3] =	stream.indirect_vreg.scatter [tilespmem:s16], [sflag:$0x1], $0x80, v3, vm0, $0xb8;
	[tilespmem:$0x10080] =	vst v63  }
0xb7: {  	_ = 	snop  }
0xb8: {  	[hbm4b:s4+s3] =	stream.indirect_vreg.scatter [tilespmem:s17], [sflag:$0x1], $0x80, v3, vm0, $0xb8;
	[tilespmem:$0x10080] =	vst v63  }
0xb9: {  	_ = 	snop  }
0xba: {  	[hbm4b:s5+s3] =	stream.indirect_vreg.scatter [tilespmem:s9], [sflag:$0x1], $0x80, v3, vm0, $0xb8;
	[tilespmem:$0x10080] =	vst v63  }
0xbb: {  	s19 =	simm.s32 $0xB880  }
0xbc: {  	[hbm4b:s6+s3] =	stream.indirect_vreg.scatter [tilespmem:s19], [sflag:$0x1], $0x80, v3, vm0, $0xb8;
	[tilespmem:$0x10080] =	vst v63  }
0xbd: {  	v3 =	vld [tilespmem:$0x30];
	_ =	sdelay $0x4  }
0xbe: {  	v63 =	vshll.u32 v3, $0x3  }
0xbf: {  	v3 =	vand.u32 $0x7, v3;
	v4 =	vand.u32 $0xFFFFFFC0, v63  }
0xc0: {  	v3 =	vor.u32 v3, v4  }
0xc1: {  	v4 =	vperm.xlane v3, v0;
	_ =	sdelay $0x1  }
0xc2: {  	v4 =	vadd.s32 v1, v4;
	_ =	sdelay $0x3  }
0xc3: {  	s1 =	simm.s32 $0xC080  }
0xc4: {  	[hbm4b:s2+s3] =	stream.indirect_vreg.scatter [tilespmem:s1], [sflag:$0x1], $0x80, v4, vm0, $0xb8;
	[tilespmem:$0x10080] =	vst v63  }
0xc5: {  	s19 =	simm.s32 $0xC880;
	v3 =	vperm.xlane v3, v2  }
0xc6: {  	[hbm4b:s4+s3] =	stream.indirect_vreg.scatter [tilespmem:s19], [sflag:$0x1], $0x80, v4, vm0, $0xb8;
	[tilespmem:$0x10080] =	vst v63  }
0xc7: {  	v3 =	vadd.s32 v1, v3;
	s1 =	simm.s32 $0xD080  }
0xc8: {  	[hbm4b:s5+s3] =	stream.indirect_vreg.scatter [tilespmem:s1], [sflag:$0x1], $0x80, v4, vm0, $0xb8;
	[tilespmem:$0x10080] =	vst v63  }
0xc9: {  	s19 =	simm.s32 $0xD880  }
0xca: {  	[hbm4b:s6+s3] =	stream.indirect_vreg.scatter [tilespmem:s19], [sflag:$0x1], $0x80, v4, vm0, $0xb8;
	[tilespmem:$0x10080] =	vst v63  }
0xcb: {  	s1 =	simm.s32 $0xE080  }
0xcc: {  	[hbm4b:s2+s3] =	stream.indirect_vreg.scatter [tilespmem:s1], [sflag:$0x1], $0x80, v3, vm0, $0xb8;
	[tilespmem:$0x10080] =	vst v63  }
0xcd: {  	s19 =	simm.s32 $0xE880  }
0xce: {  	[hbm4b:s4+s3] =	stream.indirect_vreg.scatter [tilespmem:s19], [sflag:$0x1], $0x80, v3, vm0, $0xb8;
	[tilespmem:$0x10080] =	vst v63  }
0xcf: {  	p0 =	sne.s32 s7, $0x1;
	s1 =	simm.s32 $0xF080  }
0xd0: {  	[hbm4b:s5+s3] =	stream.indirect_vreg.scatter [tilespmem:s1], [sflag:$0x1], $0x80, v3, vm0, $0xb8;
	[tilespmem:$0x10080] =	vst v63  }
.Ltmp0:
0xd1: {  	s19 =	simm.s32 $0xF880;
	(pc) =	sbr.rel @p0 .LBB2_1-.Ltmp0, $4  }
0xd2: {  	[hbm4b:s6+s3] =	stream.indirect_vreg.scatter [tilespmem:s19], [sflag:$0x1], $0x80, v3, vm0, $0xb8;
	[tilespmem:$0x10080] =	vst v63  }
0xd3: {  	_ =	swait.ge [sflag:s18], $0x10000  }
0xd4: {  	[sflag:s18] =	ssyncset.done $0x0  }
0xd5: {  	s7 =	sadd.s32 $0xFFFFFFFF, s7;
	[sflag:s18] =	ssyncadd.s32 $0xFFFF0000  }
0xd6: {  	_ =	sfence.sel $0x180000  }
0xd7: {  	[bflag:$0x0] =	sbarrier.arrive $0xFFFF  }
0xd8: {  	_ =	strace $0x90000047  }
0xd9: {  	s0 =	stileid.u32;
	[bflag:$0x2] =	sbarrier.arrive $0xFFFF  }
0xda: {  	p0 =	sne.s32 s0, $0x0;
	s0 =	rddreg [dreg:$0x3]  }
0xdb: {  	s0 =	sadd.s32 @!p0 $0x100000, s0  }
0xdc: {  	[sflag:s0] =	ssyncadd.tile.s32 @!p0 $0x1;
	_ =	shalt  }
.Lfunc_end2:
_tile_overlayer_lowered:
.L_overlay_start_2:
0xdd: {  	(tag) =	ssettag $0x2  }
0xde: {  	s0 =	rddreg [dreg:$0x0];
	s2 =	stileid.u32  }
0xdf: {  	s1 =	rddreg [dreg:$0x1];
	p0 =	sne.s32 s2, $0x0  }
0xe0: {  	s3 =	rddreg [dreg:$0x2];
	[bflag:$0x3] =	sbarrier.arrive $0xFFFF;
	s2 =	simm.s32 @!p0 $0x1C02  }
0xe1: {  	[timem:s3], [sflag:s2] =	dma.local @!p0 [hbm:s0], s1  }
0xe2: {  	s0 =	simm.s32 @!p0 $0x2  }
0xe3: {  	_ =	swait.ge @!p0 [sflag:s0], s1  }
0xe4: {  	s1 =	ssub.s32 @!p0 $0x0, s1;
	[sflag:s0] =	ssyncset.done @!p0 $0x0  }
0xe5: {  	[sflag:s0] =	ssyncadd.s32 @!p0 s1  }
0xe6: {  	[bflag:$0x3] =	sbarrier.arrive $0xFFFF  }
0xe7: {  	_ =	shalt  }

</sc_bundles>
